<compile_context>
chip_gen: v7x
topology: tpu7x:2x2x1
jax: 0.10.2.dev20260603
libtpu: 0.0.44.dev20260713+nightly
codegen_flags: <defaults>
</compile_context>

<pallas_src>
import functools

import jax
import jax.numpy as jnp
from jax import lax
from jax.experimental import pallas as pl
from jax.experimental.pallas import tpu as pltpu
from jax.experimental.pallas import tpu_sc as plsc

N_NODES = 10000
N_EDGES = 320000
D = 128

NC = 2
NS = 16
NW = NC * NS
E_W = N_EDGES // NW
CHUNK = 80
NCHUNK = E_W // CHUNK
SB = 25
NSB = NCHUNK // SB
N_PAD = 640 * NS
ROWS_T = N_PAD // NS
DEG_PAD = N_PAD


def _sc_aggregate(x, row_r, col_r):
    mesh = plsc.VectorSubcoreMesh(core_axis_name="c", subcore_axis_name="s")

    @functools.partial(
        pl.kernel,
        mesh=mesh,
        out_type=(
            jax.ShapeDtypeStruct((NC, N_PAD, D), jnp.float32),
            jax.ShapeDtypeStruct((NC, DEG_PAD), jnp.float32),
        ),
        scratch_types=[
            pltpu.VMEM_SHARED((N_PAD, D), jnp.float32),
            pltpu.VMEM_SHARED((DEG_PAD,), jnp.float32),
            pltpu.VMEM((2, SB, CHUNK), jnp.int32),
            pltpu.VMEM((2, SB, CHUNK), jnp.int32),
            pltpu.VMEM((2, CHUNK, D), jnp.float32),
            pltpu.VMEM((CHUNK,), jnp.float32),
            pltpu.VMEM((640,), jnp.float32),
            pltpu.SemaphoreType.DMA((2,)),
            pltpu.SemaphoreType.DMA((2,)),
        ],
    )
    def k(x_hbm, row_hbm, col_hbm, s_out, deg_out,
          acc, deg, ridx, cidx, gbuf, ones, dz, sem, isem):
        c = lax.axis_index("c")
        s = lax.axis_index("s")
        wid = c * NS + s

        pltpu.make_async_copy(row_hbm.at[wid, 0], ridx.at[0],
                              isem.at[0]).start()
        pltpu.make_async_copy(col_hbm.at[wid, 0], cidx.at[0],
                              isem.at[0]).start()

        zero16 = jnp.zeros((16,), jnp.float32)
        one16 = jnp.ones((16,), jnp.float32)
        for i in range(CHUNK // 16):
            ones[pl.ds(i * 16, 16)] = one16

        def zg(i, _):
            gbuf[0, i // 8, pl.ds((i % 8) * 16, 16)] = zero16
            return 0
        lax.fori_loop(0, CHUNK * 8, zg, 0)

        def zd(i, _):
            dz[pl.ds(i * 16, 16)] = zero16
            return 0
        lax.fori_loop(0, 40, zd, 0)

        for j in range(ROWS_T // CHUNK):
            pltpu.sync_copy(gbuf.at[0],
                            acc.at[pl.ds(s * ROWS_T + j * CHUNK, CHUNK)])
        pltpu.sync_copy(dz, deg.at[pl.ds(s * 640, 640)])
        plsc.subcore_barrier()

        def sb_body(sb, _):
            si = lax.rem(sb, 2)
            sn = lax.rem(sb + 1, 2)
            pltpu.make_async_copy(row_hbm.at[wid, sb], ridx.at[si],
                                  isem.at[si]).wait()
            pltpu.make_async_copy(col_hbm.at[wid, sb], cidx.at[si],
                                  isem.at[si]).wait()

            @pl.when(sb + 1 < NSB)
            def _():
                pltpu.make_async_copy(row_hbm.at[wid, sb + 1], ridx.at[sn],
                                      isem.at[sn]).start()
                pltpu.make_async_copy(col_hbm.at[wid, sb + 1], cidx.at[sn],
                                      isem.at[sn]).start()

            def body(j, _):
                slot = lax.rem(j, 2)
                prev = lax.rem(j + 1, 2)

                @pl.when(j < SB)
                def _():
                    pltpu.make_async_copy(
                        x_hbm.at[ridx.at[si, j]], gbuf.at[slot],
                        sem.at[slot]).start()

                @pl.when(j > 0)
                def _():
                    pltpu.make_async_copy(
                        x_hbm.at[ridx.at[si, j - 1]], gbuf.at[prev],
                        sem.at[prev]).wait()
                    pltpu.sync_copy(gbuf.at[prev], acc.at[cidx.at[si, j - 1]],
                                    add=True)
                    pltpu.sync_copy(ones, deg.at[cidx.at[si, j - 1]], add=True)
                return 0
            lax.fori_loop(0, SB + 1, body, 0)
            return 0
        lax.fori_loop(0, NSB, sb_body, 0)

        plsc.subcore_barrier()

        pltpu.sync_copy(acc.at[pl.ds(s * ROWS_T, ROWS_T)],
                        s_out.at[c, pl.ds(s * ROWS_T, ROWS_T)])
        pltpu.sync_copy(deg.at[pl.ds(s * 640, 640)],
                        deg_out.at[c, pl.ds(s * 640, 640)])

    return k(x, row_r, col_r)


BLK = 2000


def _epilogue_body(x_r, s0_r, s1_r, d0_r, d1_r, w_r, b_r, o_r):
    deg = d0_r[0] + d1_r[0]
    inv = jnp.where(deg == 0.0, 0.0, 1.0 / deg)
    h = x_r[...] - (s0_r[0] + s1_r[0]) * inv
    y = lax.dot_general(h, w_r[...], (((1,), (1,)), ((), ())),
                        preferred_element_type=jnp.float32)
    o_r[...] = jnp.maximum(y + b_r[...], 0.0)


def _tc_epilogue(x, s_part, deg3, W, b2):
    grid = (N_NODES // BLK,)
    return pl.pallas_call(
        _epilogue_body,
        grid=grid,
        in_specs=[
            pl.BlockSpec((BLK, D), lambda i: (i, 0)),
            pl.BlockSpec((1, BLK, D), lambda i: (0, i, 0)),
            pl.BlockSpec((1, BLK, D), lambda i: (1, i, 0)),
            pl.BlockSpec((1, BLK, 1), lambda i: (0, i, 0)),
            pl.BlockSpec((1, BLK, 1), lambda i: (1, i, 0)),
            pl.BlockSpec((D, D), lambda i: (0, 0)),
            pl.BlockSpec((1, D), lambda i: (0, 0)),
        ],
        out_specs=pl.BlockSpec((BLK, D), lambda i: (i, 0)),
        out_shape=jax.ShapeDtypeStruct((N_NODES, D), jnp.float32),
    )(x, s_part, s_part, deg3, deg3, W, b2)


def kernel(x, edge_index, W, b):
    ei = edge_index.astype(jnp.int32)
    row_r = ei[0].reshape(NW, NSB, SB, CHUNK)
    col_r = ei[1].reshape(NW, NSB, SB, CHUNK)
    s_part, deg_part = _sc_aggregate(x, row_r, col_r)
    deg3 = deg_part.reshape(NC, DEG_PAD, 1)
    return _tc_epilogue(x, s_part, deg3, W, b.reshape(1, D))

# --- scband reference (transcript-rebuilt; emitter-appended) ---
"""Pipeline reference for scband-high-pass-encoder-46377056862934 (READ-ONLY COPY).

The authoritative reference and input builder live on the scoring server;
editing this copy changes nothing except your own understanding.
"""

import jax, jax.numpy as jnp
import numpy as np

N_NODES = 10000
N_EDGES = 320000
D_IN = 128
D_OUT = 128

def setup_inputs(seed: int = 0) -> dict:
    key = jax.random.key(seed)
    k1, k2, k3, k4 = jax.random.split(key, 4)
    x = jax.random.normal(k1, (N_NODES, D_IN), dtype=jnp.float32)
    edge_index = jax.random.randint(k2, (2, N_EDGES), 0, N_NODES, dtype=jnp.int64)
    bound = 1.0 / np.sqrt(D_IN)
    W = jax.random.uniform(k3, (D_OUT, D_IN), minval=-bound, maxval=bound, dtype=jnp.float32)
    b = jax.random.uniform(k4, (D_OUT,), minval=-bound, maxval=bound, dtype=jnp.float32)
    return {"x": x, "edge_index": edge_index, "W": W, "b": b}

def reference(x, edge_index, W, b):
    row = edge_index[0]
    col = edge_index[1]
    # degree of destination nodes (count of incoming edges per node)
    deg = jnp.zeros((x.shape[0],), dtype=x.dtype).at[col].add(jnp.ones_like(col, dtype=x.dtype))
    # deg_inv = 1/deg with inf -> 0
    deg_inv = jnp.where(deg == 0, jnp.zeros_like(deg), 1.0 / deg)
    norm = deg_inv[col]
    # message: gather source features, scale by 1/deg(dst)
    msg = x[row] * norm[:, None]
    # scatter-add messages into destination rows (mean of neighbors)
    out = jnp.zeros_like(x).at[col].add(msg)
    # high-pass: x - mean(neighbors)
    h = x - out
    return jax.nn.relu(h @ W.T + b)

if __name__ == "__main__":
    import jax
    _d = setup_inputs()
    print(jax.jit(kernel)(*tuple(_d.values())))

</pallas_src>

<mosaic_0001>
#map = affine_map<(d0, d1) -> (0, 0)>
#map1 = affine_map<(d0, d1) -> (0, 0, 0, 0)>
#map2 = affine_map<(d0, d1) -> (0, 0, 0)>
module attributes {stable_mosaic.version = 14 : i64} {
  func.func @k(%arg0: i32, %arg1: i32, %arg2: memref<10000x128xf32, #tpu.memory_space<hbm>>, %arg3: memref<32x5x25x80xi32, #tpu.memory_space<hbm>>, %arg4: memref<32x5x25x80xi32, #tpu.memory_space<hbm>>, %arg5: memref<2x10240x128xf32, #tpu.memory_space<hbm>>, %arg6: memref<2x10240xf32, #tpu.memory_space<hbm>>, %arg7: memref<10240x128xf32, #tpu.memory_space<vmem_shared>>, %arg8: memref<10240xf32, #tpu.memory_space<vmem_shared>>, %arg9: memref<2x25x80xi32, #tpu.memory_space<vmem>>, %arg10: memref<2x25x80xi32, #tpu.memory_space<vmem>>, %arg11: memref<2x80x128xf32, #tpu.memory_space<vmem>>, %arg12: memref<80xf32, #tpu.memory_space<vmem>>, %arg13: memref<640xf32, #tpu.memory_space<vmem>>, %arg14: memref<2x!tpu.dma_semaphore, #tpu.memory_space<semaphore_mem>>, %arg15: memref<2x!tpu.dma_semaphore, #tpu.memory_space<semaphore_mem>>) attributes {dimension_semantics = [#tpu.dimension_semantics<core_parallel>, #tpu.dimension_semantics<subcore_parallel>], iteration_bounds = array<i64: 2, 16>, scalar_prefetch = 0 : i64, scratch_operands = 9 : i64, tpu.core_type = #tpu.core_type<sc_vector_subcore>, window_params = [{transform_indices = #map}, {transform_indices = #map1}, {transform_indices = #map1}, {transform_indices = #map2}, {transform_indices = #map}]} {
    %mul3A = arith.constant 16 : i32
    %mul3A_0 = arith.muli %arg0, %mul3A : i32
    %add3A = arith.addi %mul3A_0, %arg1 : i32
    %dma_start3A = arith.constant 0 : i32
    %dma_start3A_1 = arith.constant 0 : i32
    %dma_start3A_2 = arith.constant 0 : i32
    %dma_start3A_3 = arith.constant 0 : i32
    %dma_start3A_4 = arith.constant 0 : i32
    %dma_start3A_5 = tpu.memref_slice %arg9[%dma_start3A_1, %dma_start3A_3, %dma_start3A_4] : memref<2x25x80xi32, #tpu.memory_space<vmem>> -> memref<1x25x80xi32, #tpu.memory_space<vmem>>
    %dma_start3A_6 = tpu.memref_squeeze %dma_start3A_5 : memref<1x25x80xi32, #tpu.memory_space<vmem>> -> memref<25x80xi32, #tpu.memory_space<vmem>>
    %dma_start3A_7 = arith.constant 0 : i32
    %dma_start3A_8 = arith.constant 0 : i32
    %dma_start3A_9 = tpu.memref_slice %arg3[%add3A, %dma_start3A, %dma_start3A_7, %dma_start3A_8] : memref<32x5x25x80xi32, #tpu.memory_space<hbm>> -> memref<1x1x25x80xi32, #tpu.memory_space<hbm>>
    %dma_start3A_10 = tpu.memref_squeeze %dma_start3A_9 : memref<1x1x25x80xi32, #tpu.memory_space<hbm>> -> memref<25x80xi32, #tpu.memory_space<hbm>>
    %dma_start3A_11 = tpu.memref_slice %arg15[%dma_start3A_2] : memref<2x!tpu.dma_semaphore, #tpu.memory_space<semaphore_mem>> -> memref<1x!tpu.dma_semaphore, #tpu.memory_space<semaphore_mem>>
    %dma_start3A_12 = tpu.memref_squeeze %dma_start3A_11 : memref<1x!tpu.dma_semaphore, #tpu.memory_space<semaphore_mem>> -> memref<!tpu.dma_semaphore, #tpu.memory_space<semaphore_mem>>
    %dma_start3A_13 = arith.constant 0 : i32
    %dma_start3A_14 = arith.constant 0 : i32
    %dma_start3A_15 = tpu.memref_slice %arg9[%dma_start3A_1, %dma_start3A_13, %dma_start3A_14] : memref<2x25x80xi32, #tpu.memory_space<vmem>> -> memref<1x25x80xi32, #tpu.memory_space<vmem>>
    %dma_start3A_16 = tpu.memref_squeeze %dma_start3A_15 : memref<1x25x80xi32, #tpu.memory_space<vmem>> -> memref<25x80xi32, #tpu.memory_space<vmem>>
    %dma_start3A_17 = arith.constant 0 : i32
    %dma_start3A_18 = arith.constant 0 : i32
    %dma_start3A_19 = tpu.memref_slice %arg3[%add3A, %dma_start3A, %dma_start3A_17, %dma_start3A_18] : memref<32x5x25x80xi32, #tpu.memory_space<hbm>> -> memref<1x1x25x80xi32, #tpu.memory_space<hbm>>
    %dma_start3A_20 = tpu.memref_squeeze %dma_start3A_19 : memref<1x1x25x80xi32, #tpu.memory_space<hbm>> -> memref<25x80xi32, #tpu.memory_space<hbm>>
    tpu.enqueue_dma source(%dma_start3A_20 : memref<25x80xi32, #tpu.memory_space<hbm>>) target(%dma_start3A_16 : memref<25x80xi32, #tpu.memory_space<vmem>>) target_semaphore(%dma_start3A_12 : memref<!tpu.dma_semaphore, #tpu.memory_space<semaphore_mem>>)
    %dma_start3A_21 = arith.constant 0 : i32
    %dma_start3A_22 = arith.constant 0 : i32
    %dma_start3A_23 = arith.constant 0 : i32
    %dma_start3A_24 = arith.constant 0 : i32
    %dma_start3A_25 = arith.constant 0 : i32
    %dma_start3A_26 = tpu.memref_slice %arg10[%dma_start3A_22, %dma_start3A_24, %dma_start3A_25] : memref<2x25x80xi32, #tpu.memory_space<vmem>> -> memref<1x25x80xi32, #tpu.memory_space<vmem>>
    %dma_start3A_27 = tpu.memref_squeeze %dma_start3A_26 : memref<1x25x80xi32, #tpu.memory_space<vmem>> -> memref<25x80xi32, #tpu.memory_space<vmem>>
    %dma_start3A_28 = arith.constant 0 : i32
    %dma_start3A_29 = arith.constant 0 : i32
    %dma_start3A_30 = tpu.memref_slice %arg4[%add3A, %dma_start3A_21, %dma_start3A_28, %dma_start3A_29] : memref<32x5x25x80xi32, #tpu.memory_space<hbm>> -> memref<1x1x25x80xi32, #tpu.memory_space<hbm>>
    %dma_start3A_31 = tpu.memref_squeeze %dma_start3A_30 : memref<1x1x25x80xi32, #tpu.memory_space<hbm>> -> memref<25x80xi32, #tpu.memory_space<hbm>>
    %dma_start3A_32 = tpu.memref_slice %arg15[%dma_start3A_23] : memref<2x!tpu.dma_semaphore, #tpu.memory_space<semaphore_mem>> -> memref<1x!tpu.dma_semaphore, #tpu.memory_space<semaphore_mem>>
    %dma_start3A_33 = tpu.memref_squeeze %dma_start3A_32 : memref<1x!tpu.dma_semaphore, #tpu.memory_space<semaphore_mem>> -> memref<!tpu.dma_semaphore, #tpu.memory_space<semaphore_mem>>
    %dma_start3A_34 = arith.constant 0 : i32
    %dma_start3A_35 = arith.constant 0 : i32
    %dma_start3A_36 = tpu.memref_slice %arg10[%dma_start3A_22, %dma_start3A_34, %dma_start3A_35] : memref<2x25x80xi32, #tpu.memory_space<vmem>> -> memref<1x25x80xi32, #tpu.memory_space<vmem>>
    %dma_start3A_37 = tpu.memref_squeeze %dma_start3A_36 : memref<1x25x80xi32, #tpu.memory_space<vmem>> -> memref<25x80xi32, #tpu.memory_space<vmem>>
    %dma_start3A_38 = arith.constant 0 : i32
    %dma_start3A_39 = arith.constant 0 : i32
    %dma_start3A_40 = tpu.memref_slice %arg4[%add3A, %dma_start3A_21, %dma_start3A_38, %dma_start3A_39] : memref<32x5x25x80xi32, #tpu.memory_space<hbm>> -> memref<1x1x25x80xi32, #tpu.memory_space<hbm>>
    %dma_start3A_41 = tpu.memref_squeeze %dma_start3A_40 : memref<1x1x25x80xi32, #tpu.memory_space<hbm>> -> memref<25x80xi32, #tpu.memory_space<hbm>>
    tpu.enqueue_dma source(%dma_start3A_41 : memref<25x80xi32, #tpu.memory_space<hbm>>) target(%dma_start3A_37 : memref<25x80xi32, #tpu.memory_space<vmem>>) target_semaphore(%dma_start3A_33 : memref<!tpu.dma_semaphore, #tpu.memory_space<semaphore_mem>>)
    %broadcast_in_dim3A = arith.constant 0.000000e+00 : f32
    %broadcast_in_dim3A_42 = vector.broadcast %broadcast_in_dim3A : f32 to vector<16xf32>
    %broadcast_in_dim3A_43 = arith.constant 1.000000e+00 : f32
    %broadcast_in_dim3A_44 = vector.broadcast %broadcast_in_dim3A_43 : f32 to vector<16xf32>
    %swap3A = arith.constant 0 : index
    %swap3A_45 = tpu.vector_load %arg12[%swap3A] {strides = array<i32>} : memref<80xf32, #tpu.memory_space<vmem>>, vector<16xf32>,
    %swap3A_46 = vector.shape_cast %swap3A_45 : vector<16xf32> to vector<16xf32>
    %swap3A_47 = vector.shape_cast %broadcast_in_dim3A_44 : vector<16xf32> to vector<16xf32>
    tpu.vector_store %arg12[%swap3A], %swap3A_47 {strides = array<i32>} : memref<80xf32, #tpu.memory_space<vmem>>, vector<16xf32>,
    %swap3A_48 = arith.constant 16 : index
    %swap3A_49 = tpu.vector_load %arg12[%swap3A_48] {strides = array<i32>} : memref<80xf32, #tpu.memory_space<vmem>>, vector<16xf32>,
    %swap3A_50 = vector.shape_cast %swap3A_49 : vector<16xf32> to vector<16xf32>
    %swap3A_51 = vector.shape_cast %broadcast_in_dim3A_44 : vector<16xf32> to vector<16xf32>
    tpu.vector_store %arg12[%swap3A_48], %swap3A_51 {strides = array<i32>} : memref<80xf32, #tpu.memory_space<vmem>>, vector<16xf32>,
    %swap3A_52 = arith.constant 32 : index
    %swap3A_53 = tpu.vector_load %arg12[%swap3A_52] {strides = array<i32>} : memref<80xf32, #tpu.memory_space<vmem>>, vector<16xf32>,
    %swap3A_54 = vector.shape_cast %swap3A_53 : vector<16xf32> to vector<16xf32>
    %swap3A_55 = vector.shape_cast %broadcast_in_dim3A_44 : vector<16xf32> to vector<16xf32>
    tpu.vector_store %arg12[%swap3A_52], %swap3A_55 {strides = array<i32>} : memref<80xf32, #tpu.memory_space<vmem>>, vector<16xf32>,
    %swap3A_56 = arith.constant 48 : index
    %swap3A_57 = tpu.vector_load %arg12[%swap3A_56] {strides = array<i32>} : memref<80xf32, #tpu.memory_space<vmem>>, vector<16xf32>,
    %swap3A_58 = vector.shape_cast %swap3A_57 : vector<16xf32> to vector<16xf32>
    %swap3A_59 = vector.shape_cast %broadcast_in_dim3A_44 : vector<16xf32> to vector<16xf32>
    tpu.vector_store %arg12[%swap3A_56], %swap3A_59 {strides = array<i32>} : memref<80xf32, #tpu.memory_space<vmem>>, vector<16xf32>,
    %swap3A_60 = arith.constant 64 : index
    %swap3A_61 = tpu.vector_load %arg12[%swap3A_60] {strides = array<i32>} : memref<80xf32, #tpu.memory_space<vmem>>, vector<16xf32>,
    %swap3A_62 = vector.shape_cast %swap3A_61 : vector<16xf32> to vector<16xf32>
    %swap3A_63 = vector.shape_cast %broadcast_in_dim3A_44 : vector<16xf32> to vector<16xf32>
    tpu.vector_store %arg12[%swap3A_60], %swap3A_63 {strides = array<i32>} : memref<80xf32, #tpu.memory_space<vmem>>, vector<16xf32>,
    %scan3A = arith.constant 0 : i32
    %scan3A_64 = arith.constant 0 : i32
    %scan3A_65 = arith.constant 640 : i32
    %scan3A_66 = arith.addi %scan3A_64, %scan3A_65 : i32
    %scan3A_67 = arith.constant 1 : i32
    %scan3A_68 = scf.for %scan3A_134 = %scan3A_64 to %scan3A_66 step %scan3A_67 iter_args(%scan3A_135 = %scan3A) -> (i32)  : i32 {
      %jit3A = arith.constant 8 : i32
      %div3A = arith.divsi %scan3A_134, %jit3A : i32
      %sign3A = arith.constant 0 : i32
      %sign3A_136 = arith.cmpi sgt, %scan3A_134, %sign3A : i32
      %sign3A_137 = arith.extui %sign3A_136 : i1 to i32
      %sign3A_138 = arith.constant 0 : i32
      %sign3A_139 = arith.cmpi slt, %scan3A_134, %sign3A_138 : i32
      %sign3A_140 = arith.extui %sign3A_139 : i1 to i32
      %sign3A_141 = arith.subi %sign3A_137, %sign3A_140 : i32
      %sign3A_142 = arith.constant 0 : i32
      %sign3A_143 = arith.cmpi sgt, %jit3A, %sign3A_142 : i32
      %sign3A_144 = arith.extui %sign3A_143 : i1 to i32
      %sign3A_145 = arith.constant 0 : i32
      %sign3A_146 = arith.cmpi slt, %jit3A, %sign3A_145 : i32
      %sign3A_147 = arith.extui %sign3A_146 : i1 to i32
      %sign3A_148 = arith.subi %sign3A_144, %sign3A_147 : i32
      %ne3A = arith.cmpi ne, %sign3A_141, %sign3A_148 : i32
      %rem3A = arith.remsi %scan3A_134, %jit3A : i32
      %ne3A_149 = arith.constant 0 : i32
      %ne3A_150 = arith.cmpi ne, %rem3A, %ne3A_149 : i32
      %and3A = arith.andi %ne3A, %ne3A_150 : i1
      %sub3A = arith.constant 1 : i32
      %sub3A_151 = arith.subi %div3A, %sub3A : i32
      %select_n3A = arith.select %and3A, %sub3A_151, %div3A : i32
      %jit3A_152 = arith.constant 8 : i32
      %eq3A = arith.constant 0 : i32
      %eq3A_153 = arith.cmpi eq, %jit3A_152, %eq3A : i32
      %jit3A_154 = arith.constant 1 : i32
      %select_n3A_155 = arith.select %eq3A_153, %jit3A_154, %jit3A_152 : i32
      %rem3A_156 = arith.remsi %scan3A_134, %select_n3A_155 : i32
      %ne3A_157 = arith.constant 0 : i32
      %ne3A_158 = arith.cmpi ne, %rem3A_156, %ne3A_157 : i32
      %lt3A = arith.constant 0 : i32
      %lt3A_159 = arith.cmpi slt, %rem3A_156, %lt3A : i32
      %lt3A_160 = arith.constant 0 : i32
      %lt3A_161 = arith.cmpi slt, %select_n3A_155, %lt3A_160 : i32
      %ne3A_162 = arith.xori %lt3A_159, %lt3A_161 : i1
      %and3A_163 = arith.andi %ne3A_162, %ne3A_158 : i1
      %add3A_164 = arith.addi %rem3A_156, %select_n3A_155 : i32
      %select_n3A_165 = arith.select %and3A_163, %add3A_164, %rem3A_156 : i32
      %mul3A_166 = arith.constant 16 : i32
      %mul3A_167 = arith.muli %select_n3A_165, %mul3A_166 : i32
      %swap3A_168 = arith.constant 0 : i32
      %swap3A_169 = arith.index_cast %swap3A_168 : i32 to index
      %swap3A_170 = arith.index_cast %select_n3A : i32 to index
      %swap3A_171 = arith.index_cast %mul3A_167 : i32 to index
      %swap3A_172 = tpu.vector_load %arg11[%swap3A_169, %swap3A_170, %swap3A_171] {strides = array<i32>} : memref<2x80x128xf32, #tpu.memory_space<vmem>>, vector<1x1x16xf32>,
      %swap3A_173 = vector.shape_cast %swap3A_172 : vector<1x1x16xf32> to vector<16xf32>
      %swap3A_174 = vector.shape_cast %broadcast_in_dim3A_42 : vector<16xf32> to vector<1x1x16xf32>
      tpu.vector_store %arg11[%swap3A_169, %swap3A_170, %swap3A_171], %swap3A_174 {strides = array<i32>} : memref<2x80x128xf32, #tpu.memory_space<vmem>>, vector<1x1x16xf32>,
      %scan3A_175 = arith.constant 0 : i32
      scf.yield %scan3A_175 : i32
    }
    %scan3A_69 = arith.constant 640 : i32
    %scan3A_70 = arith.constant 0 : i32
    %scan3A_71 = arith.constant 0 : i32
    %scan3A_72 = arith.constant 40 : i32
    %scan3A_73 = arith.addi %scan3A_71, %scan3A_72 : i32
    %scan3A_74 = arith.constant 1 : i32
    %scan3A_75 = scf.for %scan3A_134 = %scan3A_71 to %scan3A_73 step %scan3A_74 iter_args(%scan3A_135 = %scan3A_70) -> (i32)  : i32 {
      %mul3A_136 = arith.constant 16 : i32
      %mul3A_137 = arith.muli %scan3A_134, %mul3A_136 : i32
      %swap3A_138 = arith.index_cast %mul3A_137 : i32 to index
      %swap3A_139 = tpu.vector_load %arg13[%swap3A_138] {strides = array<i32>} : memref<640xf32, #tpu.memory_space<vmem>>, vector<16xf32>,
      %swap3A_140 = vector.shape_cast %swap3A_139 : vector<16xf32> to vector<16xf32>
      %swap3A_141 = vector.shape_cast %broadcast_in_dim3A_42 : vector<16xf32> to vector<16xf32>
      tpu.vector_store %arg13[%swap3A_138], %swap3A_141 {strides = array<i32>} : memref<640xf32, #tpu.memory_space<vmem>>, vector<16xf32>,
      %scan3A_142 = arith.constant 0 : i32
      scf.yield %scan3A_142 : i32
    }
    %scan3A_76 = arith.constant 40 : i32
    %mul3A_77 = arith.constant 640 : i32
    %mul3A_78 = arith.muli %arg1, %mul3A_77 : i32
    %add3A_79 = arith.constant 0 : i32
    %add3A_80 = arith.addi %mul3A_78, %add3A_79 : i32
    %run_scoped3A = arith.constant 0 : i32
    "tpu.region"() ({
      %run_scoped3A_134 = tpu.sem_alloc : memref<!tpu.dma_semaphore, #tpu.memory_space<semaphore_mem>>
      %dma_start3A_135 = arith.constant 0 : i32
      %dma_start3A_136 = arith.constant 0 : i32
      %dma_start3A_137 = tpu.memref_slice %arg11[%run_scoped3A, %dma_start3A_135, %dma_start3A_136] : memref<2x80x128xf32, #tpu.memory_space<vmem>> -> memref<1x80x128xf32, #tpu.memory_space<vmem>>
      %dma_start3A_138 = tpu.memref_squeeze %dma_start3A_137 : memref<1x80x128xf32, #tpu.memory_space<vmem>> -> memref<80x128xf32, #tpu.memory_space<vmem>>
      %dma_start3A_139 = arith.constant 0 : i32
      %dma_start3A_140 = tpu.memref_slice %arg7[%add3A_80, %dma_start3A_139] : memref<10240x128xf32, #tpu.memory_space<vmem_shared>> -> memref<80x128xf32, #tpu.memory_space<vmem_shared>>
      %dma_start3A_141 = arith.constant 0 : i32
      %dma_start3A_142 = tpu.memref_slice %arg7[%add3A_80, %dma_start3A_141] : memref<10240x128xf32, #tpu.memory_space<vmem_shared>> -> memref<80x128xf32, #tpu.memory_space<vmem_shared>>
      %dma_start3A_143 = arith.constant 0 : i32
      %dma_start3A_144 = arith.constant 0 : i32
      %dma_start3A_145 = tpu.memref_slice %arg11[%run_scoped3A, %dma_start3A_143, %dma_start3A_144] : memref<2x80x128xf32, #tpu.memory_space<vmem>> -> memref<1x80x128xf32, #tpu.memory_space<vmem>>
      %dma_start3A_146 = tpu.memref_squeeze %dma_start3A_145 : memref<1x80x128xf32, #tpu.memory_space<vmem>> -> memref<80x128xf32, #tpu.memory_space<vmem>>
      tpu.enqueue_dma source(%dma_start3A_146 : memref<80x128xf32, #tpu.memory_space<vmem>>) target(%dma_start3A_142 : memref<80x128xf32, #tpu.memory_space<vmem_shared>>) target_semaphore(%run_scoped3A_134 : memref<!tpu.dma_semaphore, #tpu.memory_space<semaphore_mem>>)
      %dma_wait3A = arith.constant 0 : i32
      %dma_wait3A_147 = arith.constant 0 : i32
      %dma_wait3A_148 = tpu.memref_slice %arg11[%run_scoped3A, %dma_wait3A, %dma_wait3A_147] : memref<2x80x128xf32, #tpu.memory_space<vmem>> -> memref<1x80x128xf32, #tpu.memory_space<vmem>>
      %dma_wait3A_149 = tpu.memref_squeeze %dma_wait3A_148 : memref<1x80x128xf32, #tpu.memory_space<vmem>> -> memref<80x128xf32, #tpu.memory_space<vmem>>
      %dma_wait3A_150 = arith.constant 0 : i32
      %dma_wait3A_151 = tpu.memref_slice %arg7[%add3A_80, %dma_wait3A_150] : memref<10240x128xf32, #tpu.memory_space<vmem_shared>> -> memref<80x128xf32, #tpu.memory_space<vmem_shared>>
      %dma_wait3A_152 = arith.constant 0 : i32
      %dma_wait3A_153 = tpu.memref_slice %arg7[%add3A_80, %dma_wait3A_152] : memref<10240x128xf32, #tpu.memory_space<vmem_shared>> -> memref<80x128xf32, #tpu.memory_space<vmem_shared>>
      %dma_wait3A_154 = arith.constant 0 : i32
      %dma_wait3A_155 = arith.constant 0 : i32
      %dma_wait3A_156 = tpu.memref_slice %arg11[%run_scoped3A, %dma_wait3A_154, %dma_wait3A_155] : memref<2x80x128xf32, #tpu.memory_space<vmem>> -> memref<1x80x128xf32, #tpu.memory_space<vmem>>
      %dma_wait3A_157 = tpu.memref_squeeze %dma_wait3A_156 : memref<1x80x128xf32, #tpu.memory_space<vmem>> -> memref<80x128xf32, #tpu.memory_space<vmem>>
      tpu.wait_dma2 semaphore(%run_scoped3A_134 : memref<!tpu.dma_semaphore, #tpu.memory_space<semaphore_mem>>) src(%dma_wait3A_157 : memref<80x128xf32, #tpu.memory_space<vmem>>) dst(%dma_wait3A_153 : memref<80x128xf32, #tpu.memory_space<vmem_shared>>)
      tpu.yield
    }) : () -> ()
    %mul3A_81 = arith.constant 640 : i32
    %mul3A_82 = arith.muli %arg1, %mul3A_81 : i32
    %add3A_83 = arith.constant 80 : i32
    %add3A_84 = arith.addi %mul3A_82, %add3A_83 : i32
    %run_scoped3A_85 = arith.constant 0 : i32
    "tpu.region"() ({
      %run_scoped3A_134 = tpu.sem_alloc : memref<!tpu.dma_semaphore, #tpu.memory_space<semaphore_mem>>
      %dma_start3A_135 = arith.constant 0 : i32
      %dma_start3A_136 = arith.constant 0 : i32
      %dma_start3A_137 = tpu.memref_slice %arg11[%run_scoped3A_85, %dma_start3A_135, %dma_start3A_136] : memref<2x80x128xf32, #tpu.memory_space<vmem>> -> memref<1x80x128xf32, #tpu.memory_space<vmem>>
      %dma_start3A_138 = tpu.memref_squeeze %dma_start3A_137 : memref<1x80x128xf32, #tpu.memory_space<vmem>> -> memref<80x128xf32, #tpu.memory_space<vmem>>
      %dma_start3A_139 = arith.constant 0 : i32
      %dma_start3A_140 = tpu.memref_slice %arg7[%add3A_84, %dma_start3A_139] : memref<10240x128xf32, #tpu.memory_space<vmem_shared>> -> memref<80x128xf32, #tpu.memory_space<vmem_shared>>
      %dma_start3A_141 = arith.constant 0 : i32
      %dma_start3A_142 = tpu.memref_slice %arg7[%add3A_84, %dma_start3A_141] : memref<10240x128xf32, #tpu.memory_space<vmem_shared>> -> memref<80x128xf32, #tpu.memory_space<vmem_shared>>
      %dma_start3A_143 = arith.constant 0 : i32
      %dma_start3A_144 = arith.constant 0 : i32
      %dma_start3A_145 = tpu.memref_slice %arg11[%run_scoped3A_85, %dma_start3A_143, %dma_start3A_144] : memref<2x80x128xf32, #tpu.memory_space<vmem>> -> memref<1x80x128xf32, #tpu.memory_space<vmem>>
      %dma_start3A_146 = tpu.memref_squeeze %dma_start3A_145 : memref<1x80x128xf32, #tpu.memory_space<vmem>> -> memref<80x128xf32, #tpu.memory_space<vmem>>
      tpu.enqueue_dma source(%dma_start3A_146 : memref<80x128xf32, #tpu.memory_space<vmem>>) target(%dma_start3A_142 : memref<80x128xf32, #tpu.memory_space<vmem_shared>>) target_semaphore(%run_scoped3A_134 : memref<!tpu.dma_semaphore, #tpu.memory_space<semaphore_mem>>)
      %dma_wait3A = arith.constant 0 : i32
      %dma_wait3A_147 = arith.constant 0 : i32
      %dma_wait3A_148 = tpu.memref_slice %arg11[%run_scoped3A_85, %dma_wait3A, %dma_wait3A_147] : memref<2x80x128xf32, #tpu.memory_space<vmem>> -> memref<1x80x128xf32, #tpu.memory_space<vmem>>
      %dma_wait3A_149 = tpu.memref_squeeze %dma_wait3A_148 : memref<1x80x128xf32, #tpu.memory_space<vmem>> -> memref<80x128xf32, #tpu.memory_space<vmem>>
      %dma_wait3A_150 = arith.constant 0 : i32
      %dma_wait3A_151 = tpu.memref_slice %arg7[%add3A_84, %dma_wait3A_150] : memref<10240x128xf32, #tpu.memory_space<vmem_shared>> -> memref<80x128xf32, #tpu.memory_space<vmem_shared>>
      %dma_wait3A_152 = arith.constant 0 : i32
      %dma_wait3A_153 = tpu.memref_slice %arg7[%add3A_84, %dma_wait3A_152] : memref<10240x128xf32, #tpu.memory_space<vmem_shared>> -> memref<80x128xf32, #tpu.memory_space<vmem_shared>>
      %dma_wait3A_154 = arith.constant 0 : i32
      %dma_wait3A_155 = arith.constant 0 : i32
      %dma_wait3A_156 = tpu.memref_slice %arg11[%run_scoped3A_85, %dma_wait3A_154, %dma_wait3A_155] : memref<2x80x128xf32, #tpu.memory_space<vmem>> -> memref<1x80x128xf32, #tpu.memory_space<vmem>>
      %dma_wait3A_157 = tpu.memref_squeeze %dma_wait3A_156 : memref<1x80x128xf32, #tpu.memory_space<vmem>> -> memref<80x128xf32, #tpu.memory_space<vmem>>
      tpu.wait_dma2 semaphore(%run_scoped3A_134 : memref<!tpu.dma_semaphore, #tpu.memory_space<semaphore_mem>>) src(%dma_wait3A_157 : memref<80x128xf32, #tpu.memory_space<vmem>>) dst(%dma_wait3A_153 : memref<80x128xf32, #tpu.memory_space<vmem_shared>>)
      tpu.yield
    }) : () -> ()
    %mul3A_86 = arith.constant 640 : i32
    %mul3A_87 = arith.muli %arg1, %mul3A_86 : i32
    %add3A_88 = arith.constant 160 : i32
    %add3A_89 = arith.addi %mul3A_87, %add3A_88 : i32
    %run_scoped3A_90 = arith.constant 0 : i32
    "tpu.region"() ({
      %run_scoped3A_134 = tpu.sem_alloc : memref<!tpu.dma_semaphore, #tpu.memory_space<semaphore_mem>>
      %dma_start3A_135 = arith.constant 0 : i32
      %dma_start3A_136 = arith.constant 0 : i32
      %dma_start3A_137 = tpu.memref_slice %arg11[%run_scoped3A_90, %dma_start3A_135, %dma_start3A_136] : memref<2x80x128xf32, #tpu.memory_space<vmem>> -> memref<1x80x128xf32, #tpu.memory_space<vmem>>
      %dma_start3A_138 = tpu.memref_squeeze %dma_start3A_137 : memref<1x80x128xf32, #tpu.memory_space<vmem>> -> memref<80x128xf32, #tpu.memory_space<vmem>>
      %dma_start3A_139 = arith.constant 0 : i32
      %dma_start3A_140 = tpu.memref_slice %arg7[%add3A_89, %dma_start3A_139] : memref<10240x128xf32, #tpu.memory_space<vmem_shared>> -> memref<80x128xf32, #tpu.memory_space<vmem_shared>>
      %dma_start3A_141 = arith.constant 0 : i32
      %dma_start3A_142 = tpu.memref_slice %arg7[%add3A_89, %dma_start3A_141] : memref<10240x128xf32, #tpu.memory_space<vmem_shared>> -> memref<80x128xf32, #tpu.memory_space<vmem_shared>>
      %dma_start3A_143 = arith.constant 0 : i32
      %dma_start3A_144 = arith.constant 0 : i32
      %dma_start3A_145 = tpu.memref_slice %arg11[%run_scoped3A_90, %dma_start3A_143, %dma_start3A_144] : memref<2x80x128xf32, #tpu.memory_space<vmem>> -> memref<1x80x128xf32, #tpu.memory_space<vmem>>
      %dma_start3A_146 = tpu.memref_squeeze %dma_start3A_145 : memref<1x80x128xf32, #tpu.memory_space<vmem>> -> memref<80x128xf32, #tpu.memory_space<vmem>>
      tpu.enqueue_dma source(%dma_start3A_146 : memref<80x128xf32, #tpu.memory_space<vmem>>) target(%dma_start3A_142 : memref<80x128xf32, #tpu.memory_space<vmem_shared>>) target_semaphore(%run_scoped3A_134 : memref<!tpu.dma_semaphore, #tpu.memory_space<semaphore_mem>>)
      %dma_wait3A = arith.constant 0 : i32
      %dma_wait3A_147 = arith.constant 0 : i32
      %dma_wait3A_148 = tpu.memref_slice %arg11[%run_scoped3A_90, %dma_wait3A, %dma_wait3A_147] : memref<2x80x128xf32, #tpu.memory_space<vmem>> -> memref<1x80x128xf32, #tpu.memory_space<vmem>>
      %dma_wait3A_149 = tpu.memref_squeeze %dma_wait3A_148 : memref<1x80x128xf32, #tpu.memory_space<vmem>> -> memref<80x128xf32, #tpu.memory_space<vmem>>
      %dma_wait3A_150 = arith.constant 0 : i32
      %dma_wait3A_151 = tpu.memref_slice %arg7[%add3A_89, %dma_wait3A_150] : memref<10240x128xf32, #tpu.memory_space<vmem_shared>> -> memref<80x128xf32, #tpu.memory_space<vmem_shared>>
      %dma_wait3A_152 = arith.constant 0 : i32
      %dma_wait3A_153 = tpu.memref_slice %arg7[%add3A_89, %dma_wait3A_152] : memref<10240x128xf32, #tpu.memory_space<vmem_shared>> -> memref<80x128xf32, #tpu.memory_space<vmem_shared>>
      %dma_wait3A_154 = arith.constant 0 : i32
      %dma_wait3A_155 = arith.constant 0 : i32
      %dma_wait3A_156 = tpu.memref_slice %arg11[%run_scoped3A_90, %dma_wait3A_154, %dma_wait3A_155] : memref<2x80x128xf32, #tpu.memory_space<vmem>> -> memref<1x80x128xf32, #tpu.memory_space<vmem>>
      %dma_wait3A_157 = tpu.memref_squeeze %dma_wait3A_156 : memref<1x80x128xf32, #tpu.memory_space<vmem>> -> memref<80x128xf32, #tpu.memory_space<vmem>>
      tpu.wait_dma2 semaphore(%run_scoped3A_134 : memref<!tpu.dma_semaphore, #tpu.memory_space<semaphore_mem>>) src(%dma_wait3A_157 : memref<80x128xf32, #tpu.memory_space<vmem>>) dst(%dma_wait3A_153 : memref<80x128xf32, #tpu.memory_space<vmem_shared>>)
      tpu.yield
    }) : () -> ()
    %mul3A_91 = arith.constant 640 : i32
    %mul3A_92 = arith.muli %arg1, %mul3A_91 : i32
    %add3A_93 = arith.constant 240 : i32
    %add3A_94 = arith.addi %mul3A_92, %add3A_93 : i32
    %run_scoped3A_95 = arith.constant 0 : i32
    "tpu.region"() ({
      %run_scoped3A_134 = tpu.sem_alloc : memref<!tpu.dma_semaphore, #tpu.memory_space<semaphore_mem>>
      %dma_start3A_135 = arith.constant 0 : i32
      %dma_start3A_136 = arith.constant 0 : i32
      %dma_start3A_137 = tpu.memref_slice %arg11[%run_scoped3A_95, %dma_start3A_135, %dma_start3A_136] : memref<2x80x128xf32, #tpu.memory_space<vmem>> -> memref<1x80x128xf32, #tpu.memory_space<vmem>>
      %dma_start3A_138 = tpu.memref_squeeze %dma_start3A_137 : memref<1x80x128xf32, #tpu.memory_space<vmem>> -> memref<80x128xf32, #tpu.memory_space<vmem>>
      %dma_start3A_139 = arith.constant 0 : i32
      %dma_start3A_140 = tpu.memref_slice %arg7[%add3A_94, %dma_start3A_139] : memref<10240x128xf32, #tpu.memory_space<vmem_shared>> -> memref<80x128xf32, #tpu.memory_space<vmem_shared>>
      %dma_start3A_141 = arith.constant 0 : i32
      %dma_start3A_142 = tpu.memref_slice %arg7[%add3A_94, %dma_start3A_141] : memref<10240x128xf32, #tpu.memory_space<vmem_shared>> -> memref<80x128xf32, #tpu.memory_space<vmem_shared>>
      %dma_start3A_143 = arith.constant 0 : i32
      %dma_start3A_144 = arith.constant 0 : i32
      %dma_start3A_145 = tpu.memref_slice %arg11[%run_scoped3A_95, %dma_start3A_143, %dma_start3A_144] : memref<2x80x128xf32, #tpu.memory_space<vmem>> -> memref<1x80x128xf32, #tpu.memory_space<vmem>>
      %dma_start3A_146 = tpu.memref_squeeze %dma_start3A_145 : memref<1x80x128xf32, #tpu.memory_space<vmem>> -> memref<80x128xf32, #tpu.memory_space<vmem>>
      tpu.enqueue_dma source(%dma_start3A_146 : memref<80x128xf32, #tpu.memory_space<vmem>>) target(%dma_start3A_142 : memref<80x128xf32, #tpu.memory_space<vmem_shared>>) target_semaphore(%run_scoped3A_134 : memref<!tpu.dma_semaphore, #tpu.memory_space<semaphore_mem>>)
      %dma_wait3A = arith.constant 0 : i32
      %dma_wait3A_147 = arith.constant 0 : i32
      %dma_wait3A_148 = tpu.memref_slice %arg11[%run_scoped3A_95, %dma_wait3A, %dma_wait3A_147] : memref<2x80x128xf32, #tpu.memory_space<vmem>> -> memref<1x80x128xf32, #tpu.memory_space<vmem>>
      %dma_wait3A_149 = tpu.memref_squeeze %dma_wait3A_148 : memref<1x80x128xf32, #tpu.memory_space<vmem>> -> memref<80x128xf32, #tpu.memory_space<vmem>>
      %dma_wait3A_150 = arith.constant 0 : i32
      %dma_wait3A_151 = tpu.memref_slice %arg7[%add3A_94, %dma_wait3A_150] : memref<10240x128xf32, #tpu.memory_space<vmem_shared>> -> memref<80x128xf32, #tpu.memory_space<vmem_shared>>
      %dma_wait3A_152 = arith.constant 0 : i32
      %dma_wait3A_153 = tpu.memref_slice %arg7[%add3A_94, %dma_wait3A_152] : memref<10240x128xf32, #tpu.memory_space<vmem_shared>> -> memref<80x128xf32, #tpu.memory_space<vmem_shared>>
      %dma_wait3A_154 = arith.constant 0 : i32
      %dma_wait3A_155 = arith.constant 0 : i32
      %dma_wait3A_156 = tpu.memref_slice %arg11[%run_scoped3A_95, %dma_wait3A_154, %dma_wait3A_155] : memref<2x80x128xf32, #tpu.memory_space<vmem>> -> memref<1x80x128xf32, #tpu.memory_space<vmem>>
      %dma_wait3A_157 = tpu.memref_squeeze %dma_wait3A_156 : memref<1x80x128xf32, #tpu.memory_space<vmem>> -> memref<80x128xf32, #tpu.memory_space<vmem>>
      tpu.wait_dma2 semaphore(%run_scoped3A_134 : memref<!tpu.dma_semaphore, #tpu.memory_space<semaphore_mem>>) src(%dma_wait3A_157 : memref<80x128xf32, #tpu.memory_space<vmem>>) dst(%dma_wait3A_153 : memref<80x128xf32, #tpu.memory_space<vmem_shared>>)
      tpu.yield
    }) : () -> ()
    %mul3A_96 = arith.constant 640 : i32
    %mul3A_97 = arith.muli %arg1, %mul3A_96 : i32
    %add3A_98 = arith.constant 320 : i32
    %add3A_99 = arith.addi %mul3A_97, %add3A_98 : i32
    %run_scoped3A_100 = arith.constant 0 : i32
    "tpu.region"() ({
      %run_scoped3A_134 = tpu.sem_alloc : memref<!tpu.dma_semaphore, #tpu.memory_space<semaphore_mem>>
      %dma_start3A_135 = arith.constant 0 : i32
      %dma_start3A_136 = arith.constant 0 : i32
      %dma_start3A_137 = tpu.memref_slice %arg11[%run_scoped3A_100, %dma_start3A_135, %dma_start3A_136] : memref<2x80x128xf32, #tpu.memory_space<vmem>> -> memref<1x80x128xf32, #tpu.memory_space<vmem>>
      %dma_start3A_138 = tpu.memref_squeeze %dma_start3A_137 : memref<1x80x128xf32, #tpu.memory_space<vmem>> -> memref<80x128xf32, #tpu.memory_space<vmem>>
      %dma_start3A_139 = arith.constant 0 : i32
      %dma_start3A_140 = tpu.memref_slice %arg7[%add3A_99, %dma_start3A_139] : memref<10240x128xf32, #tpu.memory_space<vmem_shared>> -> memref<80x128xf32, #tpu.memory_space<vmem_shared>>
      %dma_start3A_141 = arith.constant 0 : i32
      %dma_start3A_142 = tpu.memref_slice %arg7[%add3A_99, %dma_start3A_141] : memref<10240x128xf32, #tpu.memory_space<vmem_shared>> -> memref<80x128xf32, #tpu.memory_space<vmem_shared>>
      %dma_start3A_143 = arith.constant 0 : i32
      %dma_start3A_144 = arith.constant 0 : i32
      %dma_start3A_145 = tpu.memref_slice %arg11[%run_scoped3A_100, %dma_start3A_143, %dma_start3A_144] : memref<2x80x128xf32, #tpu.memory_space<vmem>> -> memref<1x80x128xf32, #tpu.memory_space<vmem>>
      %dma_start3A_146 = tpu.memref_squeeze %dma_start3A_145 : memref<1x80x128xf32, #tpu.memory_space<vmem>> -> memref<80x128xf32, #tpu.memory_space<vmem>>
      tpu.enqueue_dma source(%dma_start3A_146 : memref<80x128xf32, #tpu.memory_space<vmem>>) target(%dma_start3A_142 : memref<80x128xf32, #tpu.memory_space<vmem_shared>>) target_semaphore(%run_scoped3A_134 : memref<!tpu.dma_semaphore, #tpu.memory_space<semaphore_mem>>)
      %dma_wait3A = arith.constant 0 : i32
      %dma_wait3A_147 = arith.constant 0 : i32
      %dma_wait3A_148 = tpu.memref_slice %arg11[%run_scoped3A_100, %dma_wait3A, %dma_wait3A_147] : memref<2x80x128xf32, #tpu.memory_space<vmem>> -> memref<1x80x128xf32, #tpu.memory_space<vmem>>
      %dma_wait3A_149 = tpu.memref_squeeze %dma_wait3A_148 : memref<1x80x128xf32, #tpu.memory_space<vmem>> -> memref<80x128xf32, #tpu.memory_space<vmem>>
      %dma_wait3A_150 = arith.constant 0 : i32
      %dma_wait3A_151 = tpu.memref_slice %arg7[%add3A_99, %dma_wait3A_150] : memref<10240x128xf32, #tpu.memory_space<vmem_shared>> -> memref<80x128xf32, #tpu.memory_space<vmem_shared>>
      %dma_wait3A_152 = arith.constant 0 : i32
      %dma_wait3A_153 = tpu.memref_slice %arg7[%add3A_99, %dma_wait3A_152] : memref<10240x128xf32, #tpu.memory_space<vmem_shared>> -> memref<80x128xf32, #tpu.memory_space<vmem_shared>>
      %dma_wait3A_154 = arith.constant 0 : i32
      %dma_wait3A_155 = arith.constant 0 : i32
      %dma_wait3A_156 = tpu.memref_slice %arg11[%run_scoped3A_100, %dma_wait3A_154, %dma_wait3A_155] : memref<2x80x128xf32, #tpu.memory_space<vmem>> -> memref<1x80x128xf32, #tpu.memory_space<vmem>>
      %dma_wait3A_157 = tpu.memref_squeeze %dma_wait3A_156 : memref<1x80x128xf32, #tpu.memory_space<vmem>> -> memref<80x128xf32, #tpu.memory_space<vmem>>
      tpu.wait_dma2 semaphore(%run_scoped3A_134 : memref<!tpu.dma_semaphore, #tpu.memory_space<semaphore_mem>>) src(%dma_wait3A_157 : memref<80x128xf32, #tpu.memory_space<vmem>>) dst(%dma_wait3A_153 : memref<80x128xf32, #tpu.memory_space<vmem_shared>>)
      tpu.yield
    }) : () -> ()
    %mul3A_101 = arith.constant 640 : i32
    %mul3A_102 = arith.muli %arg1, %mul3A_101 : i32
    %add3A_103 = arith.constant 400 : i32
    %add3A_104 = arith.addi %mul3A_102, %add3A_103 : i32
    %run_scoped3A_105 = arith.constant 0 : i32
    "tpu.region"() ({
      %run_scoped3A_134 = tpu.sem_alloc : memref<!tpu.dma_semaphore, #tpu.memory_space<semaphore_mem>>
      %dma_start3A_135 = arith.constant 0 : i32
      %dma_start3A_136 = arith.constant 0 : i32
      %dma_start3A_137 = tpu.memref_slice %arg11[%run_scoped3A_105, %dma_start3A_135, %dma_start3A_136] : memref<2x80x128xf32, #tpu.memory_space<vmem>> -> memref<1x80x128xf32, #tpu.memory_space<vmem>>
      %dma_start3A_138 = tpu.memref_squeeze %dma_start3A_137 : memref<1x80x128xf32, #tpu.memory_space<vmem>> -> memref<80x128xf32, #tpu.memory_space<vmem>>
      %dma_start3A_139 = arith.constant 0 : i32
      %dma_start3A_140 = tpu.memref_slice %arg7[%add3A_104, %dma_start3A_139] : memref<10240x128xf32, #tpu.memory_space<vmem_shared>> -> memref<80x128xf32, #tpu.memory_space<vmem_shared>>
      %dma_start3A_141 = arith.constant 0 : i32
      %dma_start3A_142 = tpu.memref_slice %arg7[%add3A_104, %dma_start3A_141] : memref<10240x128xf32, #tpu.memory_space<vmem_shared>> -> memref<80x128xf32, #tpu.memory_space<vmem_shared>>
      %dma_start3A_143 = arith.constant 0 : i32
      %dma_start3A_144 = arith.constant 0 : i32
      %dma_start3A_145 = tpu.memref_slice %arg11[%run_scoped3A_105, %dma_start3A_143, %dma_start3A_144] : memref<2x80x128xf32, #tpu.memory_space<vmem>> -> memref<1x80x128xf32, #tpu.memory_space<vmem>>
      %dma_start3A_146 = tpu.memref_squeeze %dma_start3A_145 : memref<1x80x128xf32, #tpu.memory_space<vmem>> -> memref<80x128xf32, #tpu.memory_space<vmem>>
      tpu.enqueue_dma source(%dma_start3A_146 : memref<80x128xf32, #tpu.memory_space<vmem>>) target(%dma_start3A_142 : memref<80x128xf32, #tpu.memory_space<vmem_shared>>) target_semaphore(%run_scoped3A_134 : memref<!tpu.dma_semaphore, #tpu.memory_space<semaphore_mem>>)
      %dma_wait3A = arith.constant 0 : i32
      %dma_wait3A_147 = arith.constant 0 : i32
      %dma_wait3A_148 = tpu.memref_slice %arg11[%run_scoped3A_105, %dma_wait3A, %dma_wait3A_147] : memref<2x80x128xf32, #tpu.memory_space<vmem>> -> memref<1x80x128xf32, #tpu.memory_space<vmem>>
      %dma_wait3A_149 = tpu.memref_squeeze %dma_wait3A_148 : memref<1x80x128xf32, #tpu.memory_space<vmem>> -> memref<80x128xf32, #tpu.memory_space<vmem>>
      %dma_wait3A_150 = arith.constant 0 : i32
      %dma_wait3A_151 = tpu.memref_slice %arg7[%add3A_104, %dma_wait3A_150] : memref<10240x128xf32, #tpu.memory_space<vmem_shared>> -> memref<80x128xf32, #tpu.memory_space<vmem_shared>>
      %dma_wait3A_152 = arith.constant 0 : i32
      %dma_wait3A_153 = tpu.memref_slice %arg7[%add3A_104, %dma_wait3A_152] : memref<10240x128xf32, #tpu.memory_space<vmem_shared>> -> memref<80x128xf32, #tpu.memory_space<vmem_shared>>
      %dma_wait3A_154 = arith.constant 0 : i32
      %dma_wait3A_155 = arith.constant 0 : i32
      %dma_wait3A_156 = tpu.memref_slice %arg11[%run_scoped3A_105, %dma_wait3A_154, %dma_wait3A_155] : memref<2x80x128xf32, #tpu.memory_space<vmem>> -> memref<1x80x128xf32, #tpu.memory_space<vmem>>
      %dma_wait3A_157 = tpu.memref_squeeze %dma_wait3A_156 : memref<1x80x128xf32, #tpu.memory_space<vmem>> -> memref<80x128xf32, #tpu.memory_space<vmem>>
      tpu.wait_dma2 semaphore(%run_scoped3A_134 : memref<!tpu.dma_semaphore, #tpu.memory_space<semaphore_mem>>) src(%dma_wait3A_157 : memref<80x128xf32, #tpu.memory_space<vmem>>) dst(%dma_wait3A_153 : memref<80x128xf32, #tpu.memory_space<vmem_shared>>)
      tpu.yield
    }) : () -> ()
    %mul3A_106 = arith.constant 640 : i32
    %mul3A_107 = arith.muli %arg1, %mul3A_106 : i32
    %add3A_108 = arith.constant 480 : i32
    %add3A_109 = arith.addi %mul3A_107, %add3A_108 : i32
    %run_scoped3A_110 = arith.constant 0 : i32
    "tpu.region"() ({
      %run_scoped3A_134 = tpu.sem_alloc : memref<!tpu.dma_semaphore, #tpu.memory_space<semaphore_mem>>
      %dma_start3A_135 = arith.constant 0 : i32
      %dma_start3A_136 = arith.constant 0 : i32
      %dma_start3A_137 = tpu.memref_slice %arg11[%run_scoped3A_110, %dma_start3A_135, %dma_start3A_136] : memref<2x80x128xf32, #tpu.memory_space<vmem>> -> memref<1x80x128xf32, #tpu.memory_space<vmem>>
      %dma_start3A_138 = tpu.memref_squeeze %dma_start3A_137 : memref<1x80x128xf32, #tpu.memory_space<vmem>> -> memref<80x128xf32, #tpu.memory_space<vmem>>
      %dma_start3A_139 = arith.constant 0 : i32
      %dma_start3A_140 = tpu.memref_slice %arg7[%add3A_109, %dma_start3A_139] : memref<10240x128xf32, #tpu.memory_space<vmem_shared>> -> memref<80x128xf32, #tpu.memory_space<vmem_shared>>
      %dma_start3A_141 = arith.constant 0 : i32
      %dma_start3A_142 = tpu.memref_slice %arg7[%add3A_109, %dma_start3A_141] : memref<10240x128xf32, #tpu.memory_space<vmem_shared>> -> memref<80x128xf32, #tpu.memory_space<vmem_shared>>
      %dma_start3A_143 = arith.constant 0 : i32
      %dma_start3A_144 = arith.constant 0 : i32
      %dma_start3A_145 = tpu.memref_slice %arg11[%run_scoped3A_110, %dma_start3A_143, %dma_start3A_144] : memref<2x80x128xf32, #tpu.memory_space<vmem>> -> memref<1x80x128xf32, #tpu.memory_space<vmem>>
      %dma_start3A_146 = tpu.memref_squeeze %dma_start3A_145 : memref<1x80x128xf32, #tpu.memory_space<vmem>> -> memref<80x128xf32, #tpu.memory_space<vmem>>
      tpu.enqueue_dma source(%dma_start3A_146 : memref<80x128xf32, #tpu.memory_space<vmem>>) target(%dma_start3A_142 : memref<80x128xf32, #tpu.memory_space<vmem_shared>>) target_semaphore(%run_scoped3A_134 : memref<!tpu.dma_semaphore, #tpu.memory_space<semaphore_mem>>)
      %dma_wait3A = arith.constant 0 : i32
      %dma_wait3A_147 = arith.constant 0 : i32
      %dma_wait3A_148 = tpu.memref_slice %arg11[%run_scoped3A_110, %dma_wait3A, %dma_wait3A_147] : memref<2x80x128xf32, #tpu.memory_space<vmem>> -> memref<1x80x128xf32, #tpu.memory_space<vmem>>
      %dma_wait3A_149 = tpu.memref_squeeze %dma_wait3A_148 : memref<1x80x128xf32, #tpu.memory_space<vmem>> -> memref<80x128xf32, #tpu.memory_space<vmem>>
      %dma_wait3A_150 = arith.constant 0 : i32
      %dma_wait3A_151 = tpu.memref_slice %arg7[%add3A_109, %dma_wait3A_150] : memref<10240x128xf32, #tpu.memory_space<vmem_shared>> -> memref<80x128xf32, #tpu.memory_space<vmem_shared>>
      %dma_wait3A_152 = arith.constant 0 : i32
      %dma_wait3A_153 = tpu.memref_slice %arg7[%add3A_109, %dma_wait3A_152] : memref<10240x128xf32, #tpu.memory_space<vmem_shared>> -> memref<80x128xf32, #tpu.memory_space<vmem_shared>>
      %dma_wait3A_154 = arith.constant 0 : i32
      %dma_wait3A_155 = arith.constant 0 : i32
      %dma_wait3A_156 = tpu.memref_slice %arg11[%run_scoped3A_110, %dma_wait3A_154, %dma_wait3A_155] : memref<2x80x128xf32, #tpu.memory_space<vmem>> -> memref<1x80x128xf32, #tpu.memory_space<vmem>>
      %dma_wait3A_157 = tpu.memref_squeeze %dma_wait3A_156 : memref<1x80x128xf32, #tpu.memory_space<vmem>> -> memref<80x128xf32, #tpu.memory_space<vmem>>
      tpu.wait_dma2 semaphore(%run_scoped3A_134 : memref<!tpu.dma_semaphore, #tpu.memory_space<semaphore_mem>>) src(%dma_wait3A_157 : memref<80x128xf32, #tpu.memory_space<vmem>>) dst(%dma_wait3A_153 : memref<80x128xf32, #tpu.memory_space<vmem_shared>>)
      tpu.yield
    }) : () -> ()
    %mul3A_111 = arith.constant 640 : i32
    %mul3A_112 = arith.muli %arg1, %mul3A_111 : i32
    %add3A_113 = arith.constant 560 : i32
    %add3A_114 = arith.addi %mul3A_112, %add3A_113 : i32
    %run_scoped3A_115 = arith.constant 0 : i32
    "tpu.region"() ({
      %run_scoped3A_134 = tpu.sem_alloc : memref<!tpu.dma_semaphore, #tpu.memory_space<semaphore_mem>>
      %dma_start3A_135 = arith.constant 0 : i32
      %dma_start3A_136 = arith.constant 0 : i32
      %dma_start3A_137 = tpu.memref_slice %arg11[%run_scoped3A_115, %dma_start3A_135, %dma_start3A_136] : memref<2x80x128xf32, #tpu.memory_space<vmem>> -> memref<1x80x128xf32, #tpu.memory_space<vmem>>
      %dma_start3A_138 = tpu.memref_squeeze %dma_start3A_137 : memref<1x80x128xf32, #tpu.memory_space<vmem>> -> memref<80x128xf32, #tpu.memory_space<vmem>>
      %dma_start3A_139 = arith.constant 0 : i32
      %dma_start3A_140 = tpu.memref_slice %arg7[%add3A_114, %dma_start3A_139] : memref<10240x128xf32, #tpu.memory_space<vmem_shared>> -> memref<80x128xf32, #tpu.memory_space<vmem_shared>>
      %dma_start3A_141 = arith.constant 0 : i32
      %dma_start3A_142 = tpu.memref_slice %arg7[%add3A_114, %dma_start3A_141] : memref<10240x128xf32, #tpu.memory_space<vmem_shared>> -> memref<80x128xf32, #tpu.memory_space<vmem_shared>>
      %dma_start3A_143 = arith.constant 0 : i32
      %dma_start3A_144 = arith.constant 0 : i32
      %dma_start3A_145 = tpu.memref_slice %arg11[%run_scoped3A_115, %dma_start3A_143, %dma_start3A_144] : memref<2x80x128xf32, #tpu.memory_space<vmem>> -> memref<1x80x128xf32, #tpu.memory_space<vmem>>
      %dma_start3A_146 = tpu.memref_squeeze %dma_start3A_145 : memref<1x80x128xf32, #tpu.memory_space<vmem>> -> memref<80x128xf32, #tpu.memory_space<vmem>>
      tpu.enqueue_dma source(%dma_start3A_146 : memref<80x128xf32, #tpu.memory_space<vmem>>) target(%dma_start3A_142 : memref<80x128xf32, #tpu.memory_space<vmem_shared>>) target_semaphore(%run_scoped3A_134 : memref<!tpu.dma_semaphore, #tpu.memory_space<semaphore_mem>>)
      %dma_wait3A = arith.constant 0 : i32
      %dma_wait3A_147 = arith.constant 0 : i32
      %dma_wait3A_148 = tpu.memref_slice %arg11[%run_scoped3A_115, %dma_wait3A, %dma_wait3A_147] : memref<2x80x128xf32, #tpu.memory_space<vmem>> -> memref<1x80x128xf32, #tpu.memory_space<vmem>>
      %dma_wait3A_149 = tpu.memref_squeeze %dma_wait3A_148 : memref<1x80x128xf32, #tpu.memory_space<vmem>> -> memref<80x128xf32, #tpu.memory_space<vmem>>
      %dma_wait3A_150 = arith.constant 0 : i32
      %dma_wait3A_151 = tpu.memref_slice %arg7[%add3A_114, %dma_wait3A_150] : memref<10240x128xf32, #tpu.memory_space<vmem_shared>> -> memref<80x128xf32, #tpu.memory_space<vmem_shared>>
      %dma_wait3A_152 = arith.constant 0 : i32
      %dma_wait3A_153 = tpu.memref_slice %arg7[%add3A_114, %dma_wait3A_152] : memref<10240x128xf32, #tpu.memory_space<vmem_shared>> -> memref<80x128xf32, #tpu.memory_space<vmem_shared>>
      %dma_wait3A_154 = arith.constant 0 : i32
      %dma_wait3A_155 = arith.constant 0 : i32
      %dma_wait3A_156 = tpu.memref_slice %arg11[%run_scoped3A_115, %dma_wait3A_154, %dma_wait3A_155] : memref<2x80x128xf32, #tpu.memory_space<vmem>> -> memref<1x80x128xf32, #tpu.memory_space<vmem>>
      %dma_wait3A_157 = tpu.memref_squeeze %dma_wait3A_156 : memref<1x80x128xf32, #tpu.memory_space<vmem>> -> memref<80x128xf32, #tpu.memory_space<vmem>>
      tpu.wait_dma2 semaphore(%run_scoped3A_134 : memref<!tpu.dma_semaphore, #tpu.memory_space<semaphore_mem>>) src(%dma_wait3A_157 : memref<80x128xf32, #tpu.memory_space<vmem>>) dst(%dma_wait3A_153 : memref<80x128xf32, #tpu.memory_space<vmem_shared>>)
      tpu.yield
    }) : () -> ()
    %mul3A_116 = arith.constant 640 : i32
    %mul3A_117 = arith.muli %arg1, %mul3A_116 : i32
    "tpu.region"() ({
      %run_scoped3A_134 = tpu.sem_alloc : memref<!tpu.dma_semaphore, #tpu.memory_space<semaphore_mem>>
      %dma_start3A_135 = tpu.memref_slice %arg8[%mul3A_117] : memref<10240xf32, #tpu.memory_space<vmem_shared>> -> memref<640xf32, #tpu.memory_space<vmem_shared>>
      %dma_start3A_136 = tpu.memref_slice %arg8[%mul3A_117] : memref<10240xf32, #tpu.memory_space<vmem_shared>> -> memref<640xf32, #tpu.memory_space<vmem_shared>>
      tpu.enqueue_dma source(%arg13 : memref<640xf32, #tpu.memory_space<vmem>>) target(%dma_start3A_136 : memref<640xf32, #tpu.memory_space<vmem_shared>>) target_semaphore(%run_scoped3A_134 : memref<!tpu.dma_semaphore, #tpu.memory_space<semaphore_mem>>)
      %dma_wait3A = tpu.memref_slice %arg8[%mul3A_117] : memref<10240xf32, #tpu.memory_space<vmem_shared>> -> memref<640xf32, #tpu.memory_space<vmem_shared>>
      %dma_wait3A_137 = tpu.memref_slice %arg8[%mul3A_117] : memref<10240xf32, #tpu.memory_space<vmem_shared>> -> memref<640xf32, #tpu.memory_space<vmem_shared>>
      tpu.wait_dma2 semaphore(%run_scoped3A_134 : memref<!tpu.dma_semaphore, #tpu.memory_space<semaphore_mem>>) src(%arg13 : memref<640xf32, #tpu.memory_space<vmem>>) dst(%dma_wait3A_137 : memref<640xf32, #tpu.memory_space<vmem_shared>>)
      tpu.yield
    }) : () -> ()
    %barrier3A = arith.constant 0 : index
    tpu.barrier barrier_id(%barrier3A)
    %scan3A_118 = arith.constant 0 : i32
    %scan3A_119 = arith.constant 0 : i32
    %scan3A_120 = arith.constant 5 : i32
    %scan3A_121 = arith.addi %scan3A_119, %scan3A_120 : i32
    %scan3A_122 = arith.constant 1 : i32
    %scan3A_123 = scf.for %scan3A_134 = %scan3A_119 to %scan3A_121 step %scan3A_122 iter_args(%scan3A_135 = %scan3A_118) -> (i32)  : i32 {
      %rem3A = arith.constant 2 : i32
      %rem3A_136 = arith.remsi %scan3A_134, %rem3A : i32
      %add3A_137 = arith.constant 1 : i32
      %add3A_138 = arith.addi %scan3A_134, %add3A_137 : i32
      %rem3A_139 = arith.constant 2 : i32
      %rem3A_140 = arith.remsi %add3A_138, %rem3A_139 : i32
      %dma_wait3A = arith.constant 0 : i32
      %dma_wait3A_141 = arith.constant 0 : i32
      %dma_wait3A_142 = tpu.memref_slice %arg9[%rem3A_136, %dma_wait3A, %dma_wait3A_141] : memref<2x25x80xi32, #tpu.memory_space<vmem>> -> memref<1x25x80xi32, #tpu.memory_space<vmem>>
      %dma_wait3A_143 = tpu.memref_squeeze %dma_wait3A_142 : memref<1x25x80xi32, #tpu.memory_space<vmem>> -> memref<25x80xi32, #tpu.memory_space<vmem>>
      %dma_wait3A_144 = arith.constant 0 : i32
      %dma_wait3A_145 = arith.constant 0 : i32
      %dma_wait3A_146 = tpu.memref_slice %arg3[%add3A, %scan3A_134, %dma_wait3A_144, %dma_wait3A_145] : memref<32x5x25x80xi32, #tpu.memory_space<hbm>> -> memref<1x1x25x80xi32, #tpu.memory_space<hbm>>
      %dma_wait3A_147 = tpu.memref_squeeze %dma_wait3A_146 : memref<1x1x25x80xi32, #tpu.memory_space<hbm>> -> memref<25x80xi32, #tpu.memory_space<hbm>>
      %dma_wait3A_148 = tpu.memref_slice %arg15[%rem3A_136] : memref<2x!tpu.dma_semaphore, #tpu.memory_space<semaphore_mem>> -> memref<1x!tpu.dma_semaphore, #tpu.memory_space<semaphore_mem>>
      %dma_wait3A_149 = tpu.memref_squeeze %dma_wait3A_148 : memref<1x!tpu.dma_semaphore, #tpu.memory_space<semaphore_mem>> -> memref<!tpu.dma_semaphore, #tpu.memory_space<semaphore_mem>>
      %dma_wait3A_150 = arith.constant 0 : i32
      %dma_wait3A_151 = arith.constant 0 : i32
      %dma_wait3A_152 = tpu.memref_slice %arg9[%rem3A_136, %dma_wait3A_150, %dma_wait3A_151] : memref<2x25x80xi32, #tpu.memory_space<vmem>> -> memref<1x25x80xi32, #tpu.memory_space<vmem>>
      %dma_wait3A_153 = tpu.memref_squeeze %dma_wait3A_152 : memref<1x25x80xi32, #tpu.memory_space<vmem>> -> memref<25x80xi32, #tpu.memory_space<vmem>>
      %dma_wait3A_154 = arith.constant 0 : i32
      %dma_wait3A_155 = arith.constant 0 : i32
      %dma_wait3A_156 = tpu.memref_slice %arg3[%add3A, %scan3A_134, %dma_wait3A_154, %dma_wait3A_155] : memref<32x5x25x80xi32, #tpu.memory_space<hbm>> -> memref<1x1x25x80xi32, #tpu.memory_space<hbm>>
      %dma_wait3A_157 = tpu.memref_squeeze %dma_wait3A_156 : memref<1x1x25x80xi32, #tpu.memory_space<hbm>> -> memref<25x80xi32, #tpu.memory_space<hbm>>
      tpu.wait_dma2 semaphore(%dma_wait3A_149 : memref<!tpu.dma_semaphore, #tpu.memory_space<semaphore_mem>>) src(%dma_wait3A_157 : memref<25x80xi32, #tpu.memory_space<hbm>>) dst(%dma_wait3A_153 : memref<25x80xi32, #tpu.memory_space<vmem>>)
      %dma_wait3A_158 = arith.constant 0 : i32
      %dma_wait3A_159 = arith.constant 0 : i32
      %dma_wait3A_160 = tpu.memref_slice %arg10[%rem3A_136, %dma_wait3A_158, %dma_wait3A_159] : memref<2x25x80xi32, #tpu.memory_space<vmem>> -> memref<1x25x80xi32, #tpu.memory_space<vmem>>
      %dma_wait3A_161 = tpu.memref_squeeze %dma_wait3A_160 : memref<1x25x80xi32, #tpu.memory_space<vmem>> -> memref<25x80xi32, #tpu.memory_space<vmem>>
      %dma_wait3A_162 = arith.constant 0 : i32
      %dma_wait3A_163 = arith.constant 0 : i32
      %dma_wait3A_164 = tpu.memref_slice %arg4[%add3A, %scan3A_134, %dma_wait3A_162, %dma_wait3A_163] : memref<32x5x25x80xi32, #tpu.memory_space<hbm>> -> memref<1x1x25x80xi32, #tpu.memory_space<hbm>>
      %dma_wait3A_165 = tpu.memref_squeeze %dma_wait3A_164 : memref<1x1x25x80xi32, #tpu.memory_space<hbm>> -> memref<25x80xi32, #tpu.memory_space<hbm>>
      %dma_wait3A_166 = tpu.memref_slice %arg15[%rem3A_136] : memref<2x!tpu.dma_semaphore, #tpu.memory_space<semaphore_mem>> -> memref<1x!tpu.dma_semaphore, #tpu.memory_space<semaphore_mem>>
      %dma_wait3A_167 = tpu.memref_squeeze %dma_wait3A_166 : memref<1x!tpu.dma_semaphore, #tpu.memory_space<semaphore_mem>> -> memref<!tpu.dma_semaphore, #tpu.memory_space<semaphore_mem>>
      %dma_wait3A_168 = arith.constant 0 : i32
      %dma_wait3A_169 = arith.constant 0 : i32
      %dma_wait3A_170 = tpu.memref_slice %arg10[%rem3A_136, %dma_wait3A_168, %dma_wait3A_169] : memref<2x25x80xi32, #tpu.memory_space<vmem>> -> memref<1x25x80xi32, #tpu.memory_space<vmem>>
      %dma_wait3A_171 = tpu.memref_squeeze %dma_wait3A_170 : memref<1x25x80xi32, #tpu.memory_space<vmem>> -> memref<25x80xi32, #tpu.memory_space<vmem>>
      %dma_wait3A_172 = arith.constant 0 : i32
      %dma_wait3A_173 = arith.constant 0 : i32
      %dma_wait3A_174 = tpu.memref_slice %arg4[%add3A, %scan3A_134, %dma_wait3A_172, %dma_wait3A_173] : memref<32x5x25x80xi32, #tpu.memory_space<hbm>> -> memref<1x1x25x80xi32, #tpu.memory_space<hbm>>
      %dma_wait3A_175 = tpu.memref_squeeze %dma_wait3A_174 : memref<1x1x25x80xi32, #tpu.memory_space<hbm>> -> memref<25x80xi32, #tpu.memory_space<hbm>>
      tpu.wait_dma2 semaphore(%dma_wait3A_167 : memref<!tpu.dma_semaphore, #tpu.memory_space<semaphore_mem>>) src(%dma_wait3A_175 : memref<25x80xi32, #tpu.memory_space<hbm>>) dst(%dma_wait3A_171 : memref<25x80xi32, #tpu.memory_space<vmem>>)
      %add3A_176 = arith.constant 1 : i32
      %add3A_177 = arith.addi %scan3A_134, %add3A_176 : i32
      %lt3A = arith.constant 5 : i32
      %lt3A_178 = arith.cmpi slt, %add3A_177, %lt3A : i32
      %convert_element_type3A = arith.extui %lt3A_178 : i1 to i32
      %cond3A = arith.constant 0 : i32
      %cond3A_179 = arith.cmpi ne, %convert_element_type3A, %cond3A : i32
      scf.if %cond3A_179 {
        %add3A_188 = arith.constant 1 : i32
        %add3A_189 = arith.addi %scan3A_134, %add3A_188 : i32
        %dma_start3A_190 = arith.constant 0 : i32
        %dma_start3A_191 = arith.constant 0 : i32
        %dma_start3A_192 = tpu.memref_slice %arg9[%rem3A_140, %dma_start3A_190, %dma_start3A_191] : memref<2x25x80xi32, #tpu.memory_space<vmem>> -> memref<1x25x80xi32, #tpu.memory_space<vmem>>
        %dma_start3A_193 = tpu.memref_squeeze %dma_start3A_192 : memref<1x25x80xi32, #tpu.memory_space<vmem>> -> memref<25x80xi32, #tpu.memory_space<vmem>>
        %dma_start3A_194 = arith.constant 0 : i32
        %dma_start3A_195 = arith.constant 0 : i32
        %dma_start3A_196 = tpu.memref_slice %arg3[%add3A, %add3A_189, %dma_start3A_194, %dma_start3A_195] : memref<32x5x25x80xi32, #tpu.memory_space<hbm>> -> memref<1x1x25x80xi32, #tpu.memory_space<hbm>>
        %dma_start3A_197 = tpu.memref_squeeze %dma_start3A_196 : memref<1x1x25x80xi32, #tpu.memory_space<hbm>> -> memref<25x80xi32, #tpu.memory_space<hbm>>
        %dma_start3A_198 = tpu.memref_slice %arg15[%rem3A_140] : memref<2x!tpu.dma_semaphore, #tpu.memory_space<semaphore_mem>> -> memref<1x!tpu.dma_semaphore, #tpu.memory_space<semaphore_mem>>
        %dma_start3A_199 = tpu.memref_squeeze %dma_start3A_198 : memref<1x!tpu.dma_semaphore, #tpu.memory_space<semaphore_mem>> -> memref<!tpu.dma_semaphore, #tpu.memory_space<semaphore_mem>>
        %dma_start3A_200 = arith.constant 0 : i32
        %dma_start3A_201 = arith.constant 0 : i32
        %dma_start3A_202 = tpu.memref_slice %arg9[%rem3A_140, %dma_start3A_200, %dma_start3A_201] : memref<2x25x80xi32, #tpu.memory_space<vmem>> -> memref<1x25x80xi32, #tpu.memory_space<vmem>>
        %dma_start3A_203 = tpu.memref_squeeze %dma_start3A_202 : memref<1x25x80xi32, #tpu.memory_space<vmem>> -> memref<25x80xi32, #tpu.memory_space<vmem>>
        %dma_start3A_204 = arith.constant 0 : i32
        %dma_start3A_205 = arith.constant 0 : i32
        %dma_start3A_206 = tpu.memref_slice %arg3[%add3A, %add3A_189, %dma_start3A_204, %dma_start3A_205] : memref<32x5x25x80xi32, #tpu.memory_space<hbm>> -> memref<1x1x25x80xi32, #tpu.memory_space<hbm>>
        %dma_start3A_207 = tpu.memref_squeeze %dma_start3A_206 : memref<1x1x25x80xi32, #tpu.memory_space<hbm>> -> memref<25x80xi32, #tpu.memory_space<hbm>>
        tpu.enqueue_dma source(%dma_start3A_207 : memref<25x80xi32, #tpu.memory_space<hbm>>) target(%dma_start3A_203 : memref<25x80xi32, #tpu.memory_space<vmem>>) target_semaphore(%dma_start3A_199 : memref<!tpu.dma_semaphore, #tpu.memory_space<semaphore_mem>>)
        %add3A_208 = arith.constant 1 : i32
        %add3A_209 = arith.addi %scan3A_134, %add3A_208 : i32
        %dma_start3A_210 = arith.constant 0 : i32
        %dma_start3A_211 = arith.constant 0 : i32
        %dma_start3A_212 = tpu.memref_slice %arg10[%rem3A_140, %dma_start3A_210, %dma_start3A_211] : memref<2x25x80xi32, #tpu.memory_space<vmem>> -> memref<1x25x80xi32, #tpu.memory_space<vmem>>
        %dma_start3A_213 = tpu.memref_squeeze %dma_start3A_212 : memref<1x25x80xi32, #tpu.memory_space<vmem>> -> memref<25x80xi32, #tpu.memory_space<vmem>>
        %dma_start3A_214 = arith.constant 0 : i32
        %dma_start3A_215 = arith.constant 0 : i32
        %dma_start3A_216 = tpu.memref_slice %arg4[%add3A, %add3A_209, %dma_start3A_214, %dma_start3A_215] : memref<32x5x25x80xi32, #tpu.memory_space<hbm>> -> memref<1x1x25x80xi32, #tpu.memory_space<hbm>>
        %dma_start3A_217 = tpu.memref_squeeze %dma_start3A_216 : memref<1x1x25x80xi32, #tpu.memory_space<hbm>> -> memref<25x80xi32, #tpu.memory_space<hbm>>
        %dma_start3A_218 = tpu.memref_slice %arg15[%rem3A_140] : memref<2x!tpu.dma_semaphore, #tpu.memory_space<semaphore_mem>> -> memref<1x!tpu.dma_semaphore, #tpu.memory_space<semaphore_mem>>
        %dma_start3A_219 = tpu.memref_squeeze %dma_start3A_218 : memref<1x!tpu.dma_semaphore, #tpu.memory_space<semaphore_mem>> -> memref<!tpu.dma_semaphore, #tpu.memory_space<semaphore_mem>>
        %dma_start3A_220 = arith.constant 0 : i32
        %dma_start3A_221 = arith.constant 0 : i32
        %dma_start3A_222 = tpu.memref_slice %arg10[%rem3A_140, %dma_start3A_220, %dma_start3A_221] : memref<2x25x80xi32, #tpu.memory_space<vmem>> -> memref<1x25x80xi32, #tpu.memory_space<vmem>>
        %dma_start3A_223 = tpu.memref_squeeze %dma_start3A_222 : memref<1x25x80xi32, #tpu.memory_space<vmem>> -> memref<25x80xi32, #tpu.memory_space<vmem>>
        %dma_start3A_224 = arith.constant 0 : i32
        %dma_start3A_225 = arith.constant 0 : i32
        %dma_start3A_226 = tpu.memref_slice %arg4[%add3A, %add3A_209, %dma_start3A_224, %dma_start3A_225] : memref<32x5x25x80xi32, #tpu.memory_space<hbm>> -> memref<1x1x25x80xi32, #tpu.memory_space<hbm>>
        %dma_start3A_227 = tpu.memref_squeeze %dma_start3A_226 : memref<1x1x25x80xi32, #tpu.memory_space<hbm>> -> memref<25x80xi32, #tpu.memory_space<hbm>>
        tpu.enqueue_dma source(%dma_start3A_227 : memref<25x80xi32, #tpu.memory_space<hbm>>) target(%dma_start3A_223 : memref<25x80xi32, #tpu.memory_space<vmem>>) target_semaphore(%dma_start3A_219 : memref<!tpu.dma_semaphore, #tpu.memory_space<semaphore_mem>>)
      } else {
      }
      %scan3A_180 = arith.constant 0 : i32
      %scan3A_181 = arith.constant 0 : i32
      %scan3A_182 = arith.constant 26 : i32
      %scan3A_183 = arith.addi %scan3A_181, %scan3A_182 : i32
      %scan3A_184 = arith.constant 1 : i32
      %scan3A_185 = scf.for %scan3A_188 = %scan3A_181 to %scan3A_183 step %scan3A_184 iter_args(%scan3A_189 = %scan3A_180) -> (i32)  : i32 {
        %rem3A_190 = arith.constant 2 : i32
        %rem3A_191 = arith.remsi %scan3A_188, %rem3A_190 : i32
        %add3A_192 = arith.constant 1 : i32
        %add3A_193 = arith.addi %scan3A_188, %add3A_192 : i32
        %rem3A_194 = arith.constant 2 : i32
        %rem3A_195 = arith.remsi %add3A_193, %rem3A_194 : i32
        %lt3A_196 = arith.constant 25 : i32
        %lt3A_197 = arith.cmpi slt, %scan3A_188, %lt3A_196 : i32
        %convert_element_type3A_198 = arith.extui %lt3A_197 : i1 to i32
        %cond3A_199 = arith.constant 0 : i32
        %cond3A_200 = arith.cmpi ne, %convert_element_type3A_198, %cond3A_199 : i32
        scf.if %cond3A_200 {
          %dma_start3A_206 = arith.constant 0 : i32
          %dma_start3A_207 = arith.constant 0 : i32
          %dma_start3A_208 = tpu.memref_slice %arg11[%rem3A_191, %dma_start3A_206, %dma_start3A_207] : memref<2x80x128xf32, #tpu.memory_space<vmem>> -> memref<1x80x128xf32, #tpu.memory_space<vmem>>
          %dma_start3A_209 = tpu.memref_squeeze %dma_start3A_208 : memref<1x80x128xf32, #tpu.memory_space<vmem>> -> memref<80x128xf32, #tpu.memory_space<vmem>>
          %dma_start3A_210 = arith.constant 0 : i32
          %dma_start3A_211 = tpu.memref_slice %arg9[%rem3A_136, %scan3A_188, %dma_start3A_210] : memref<2x25x80xi32, #tpu.memory_space<vmem>> -> memref<1x1x80xi32, #tpu.memory_space<vmem>>
          %dma_start3A_212 = tpu.memref_squeeze %dma_start3A_211 : memref<1x1x80xi32, #tpu.memory_space<vmem>> -> memref<80xi32, #tpu.memory_space<vmem>>
          %dma_start3A_213 = arith.constant 0 : i32
          %dma_start3A_214 = arith.constant 0 : i32
          %dma_start3A_215 = tpu.memref_slice %arg2[%dma_start3A_213, %dma_start3A_214] : memref<10000x128xf32, #tpu.memory_space<hbm>> -> memref<10000x128xf32, #tpu.memory_space<hbm>>
          %dma_start3A_216 = tpu.memref_slice %arg14[%rem3A_191] : memref<2x!tpu.dma_semaphore, #tpu.memory_space<semaphore_mem>> -> memref<1x!tpu.dma_semaphore, #tpu.memory_space<semaphore_mem>>
          %dma_start3A_217 = tpu.memref_squeeze %dma_start3A_216 : memref<1x!tpu.dma_semaphore, #tpu.memory_space<semaphore_mem>> -> memref<!tpu.dma_semaphore, #tpu.memory_space<semaphore_mem>>
          tpu.enqueue_indirect_dma source(%dma_start3A_215 : memref<10000x128xf32, #tpu.memory_space<hbm>>) target(%dma_start3A_209 : memref<80x128xf32, #tpu.memory_space<vmem>>) offsets(%dma_start3A_212 : memref<80xi32, #tpu.memory_space<vmem>>) semaphore(%dma_start3A_217 : memref<!tpu.dma_semaphore, #tpu.memory_space<semaphore_mem>>)
        } else {
        }
        %gt3A = arith.constant 0 : i32
        %gt3A_201 = arith.cmpi sgt, %scan3A_188, %gt3A : i32
        %convert_element_type3A_202 = arith.extui %gt3A_201 : i1 to i32
        %cond3A_203 = arith.constant 0 : i32
        %cond3A_204 = arith.cmpi ne, %convert_element_type3A_202, %cond3A_203 : i32
        scf.if %cond3A_204 {
          %sub3A = arith.constant 1 : i32
          %sub3A_206 = arith.subi %scan3A_188, %sub3A : i32
          %dma_wait3A_207 = arith.constant 0 : i32
          %dma_wait3A_208 = arith.constant 0 : i32
          %dma_wait3A_209 = tpu.memref_slice %arg11[%rem3A_195, %dma_wait3A_207, %dma_wait3A_208] : memref<2x80x128xf32, #tpu.memory_space<vmem>> -> memref<1x80x128xf32, #tpu.memory_space<vmem>>
          %dma_wait3A_210 = tpu.memref_squeeze %dma_wait3A_209 : memref<1x80x128xf32, #tpu.memory_space<vmem>> -> memref<80x128xf32, #tpu.memory_space<vmem>>
          %dma_wait3A_211 = arith.constant 0 : i32
          %dma_wait3A_212 = tpu.memref_slice %arg9[%rem3A_136, %sub3A_206, %dma_wait3A_211] : memref<2x25x80xi32, #tpu.memory_space<vmem>> -> memref<1x1x80xi32, #tpu.memory_space<vmem>>
          %dma_wait3A_213 = tpu.memref_squeeze %dma_wait3A_212 : memref<1x1x80xi32, #tpu.memory_space<vmem>> -> memref<80xi32, #tpu.memory_space<vmem>>
          %dma_wait3A_214 = arith.constant 0 : i32
          %dma_wait3A_215 = arith.constant 0 : i32
          %dma_wait3A_216 = tpu.memref_slice %arg2[%dma_wait3A_214, %dma_wait3A_215] : memref<10000x128xf32, #tpu.memory_space<hbm>> -> memref<10000x128xf32, #tpu.memory_space<hbm>>
          %dma_wait3A_217 = tpu.memref_slice %arg14[%rem3A_195] : memref<2x!tpu.dma_semaphore, #tpu.memory_space<semaphore_mem>> -> memref<1x!tpu.dma_semaphore, #tpu.memory_space<semaphore_mem>>
          %dma_wait3A_218 = tpu.memref_squeeze %dma_wait3A_217 : memref<1x!tpu.dma_semaphore, #tpu.memory_space<semaphore_mem>> -> memref<!tpu.dma_semaphore, #tpu.memory_space<semaphore_mem>>
          tpu.wait_indirect_dma semaphore(%dma_wait3A_218 : memref<!tpu.dma_semaphore, #tpu.memory_space<semaphore_mem>>) src(%dma_wait3A_216 : memref<10000x128xf32, #tpu.memory_space<hbm>>) dst(%dma_wait3A_210 : memref<80x128xf32, #tpu.memory_space<vmem>>)
          %sub3A_219 = arith.constant 1 : i32
          %sub3A_220 = arith.subi %scan3A_188, %sub3A_219 : i32
          "tpu.region"() ({
            %run_scoped3A_223 = tpu.sem_alloc : memref<!tpu.dma_semaphore, #tpu.memory_space<semaphore_mem>>
            %dma_start3A_224 = arith.constant 0 : i32
            %dma_start3A_225 = arith.constant 0 : i32
            %dma_start3A_226 = tpu.memref_slice %arg11[%rem3A_195, %dma_start3A_224, %dma_start3A_225] : memref<2x80x128xf32, #tpu.memory_space<vmem>> -> memref<1x80x128xf32, #tpu.memory_space<vmem>>
            %dma_start3A_227 = tpu.memref_squeeze %dma_start3A_226 : memref<1x80x128xf32, #tpu.memory_space<vmem>> -> memref<80x128xf32, #tpu.memory_space<vmem>>
            %dma_start3A_228 = arith.constant 0 : i32
            %dma_start3A_229 = tpu.memref_slice %arg10[%rem3A_136, %sub3A_220, %dma_start3A_228] : memref<2x25x80xi32, #tpu.memory_space<vmem>> -> memref<1x1x80xi32, #tpu.memory_space<vmem>>
            %dma_start3A_230 = tpu.memref_squeeze %dma_start3A_229 : memref<1x1x80xi32, #tpu.memory_space<vmem>> -> memref<80xi32, #tpu.memory_space<vmem>>
            %dma_start3A_231 = arith.constant 0 : i32
            %dma_start3A_232 = arith.constant 0 : i32
            %dma_start3A_233 = tpu.memref_slice %arg7[%dma_start3A_231, %dma_start3A_232] : memref<10240x128xf32, #tpu.memory_space<vmem_shared>> -> memref<10240x128xf32, #tpu.memory_space<vmem_shared>>
            tpu.enqueue_indirect_dma source(%dma_start3A_227 : memref<80x128xf32, #tpu.memory_space<vmem>>) target(%dma_start3A_233 : memref<10240x128xf32, #tpu.memory_space<vmem_shared>>) offsets(%dma_start3A_230 : memref<80xi32, #tpu.memory_space<vmem>>) semaphore(%run_scoped3A_223 : memref<!tpu.dma_semaphore, #tpu.memory_space<semaphore_mem>>) {add = true}
            %dma_wait3A_234 = arith.constant 0 : i32
            %dma_wait3A_235 = arith.constant 0 : i32
            %dma_wait3A_236 = tpu.memref_slice %arg11[%rem3A_195, %dma_wait3A_234, %dma_wait3A_235] : memref<2x80x128xf32, #tpu.memory_space<vmem>> -> memref<1x80x128xf32, #tpu.memory_space<vmem>>
            %dma_wait3A_237 = tpu.memref_squeeze %dma_wait3A_236 : memref<1x80x128xf32, #tpu.memory_space<vmem>> -> memref<80x128xf32, #tpu.memory_space<vmem>>
            %dma_wait3A_238 = arith.constant 0 : i32
            %dma_wait3A_239 = tpu.memref_slice %arg10[%rem3A_136, %sub3A_220, %dma_wait3A_238] : memref<2x25x80xi32, #tpu.memory_space<vmem>> -> memref<1x1x80xi32, #tpu.memory_space<vmem>>
            %dma_wait3A_240 = tpu.memref_squeeze %dma_wait3A_239 : memref<1x1x80xi32, #tpu.memory_space<vmem>> -> memref<80xi32, #tpu.memory_space<vmem>>
            %dma_wait3A_241 = arith.constant 0 : i32
            %dma_wait3A_242 = arith.constant 0 : i32
            %dma_wait3A_243 = tpu.memref_slice %arg7[%dma_wait3A_241, %dma_wait3A_242] : memref<10240x128xf32, #tpu.memory_space<vmem_shared>> -> memref<10240x128xf32, #tpu.memory_space<vmem_shared>>
            tpu.wait_indirect_dma semaphore(%run_scoped3A_223 : memref<!tpu.dma_semaphore, #tpu.memory_space<semaphore_mem>>) src(%dma_wait3A_237 : memref<80x128xf32, #tpu.memory_space<vmem>>) dst(%dma_wait3A_243 : memref<10240x128xf32, #tpu.memory_space<vmem_shared>>)
            tpu.yield
          }) : () -> ()
          %sub3A_221 = arith.constant 1 : i32
          %sub3A_222 = arith.subi %scan3A_188, %sub3A_221 : i32
          "tpu.region"() ({
            %run_scoped3A_223 = tpu.sem_alloc : memref<!tpu.dma_semaphore, #tpu.memory_space<semaphore_mem>>
            %dma_start3A_224 = arith.constant 0 : i32
            %dma_start3A_225 = tpu.memref_slice %arg10[%rem3A_136, %sub3A_222, %dma_start3A_224] : memref<2x25x80xi32, #tpu.memory_space<vmem>> -> memref<1x1x80xi32, #tpu.memory_space<vmem>>
            %dma_start3A_226 = tpu.memref_squeeze %dma_start3A_225 : memref<1x1x80xi32, #tpu.memory_space<vmem>> -> memref<80xi32, #tpu.memory_space<vmem>>
            %dma_start3A_227 = arith.constant 0 : i32
            %dma_start3A_228 = tpu.memref_slice %arg8[%dma_start3A_227] : memref<10240xf32, #tpu.memory_space<vmem_shared>> -> memref<10240xf32, #tpu.memory_space<vmem_shared>>
            tpu.enqueue_indirect_dma source(%arg12 : memref<80xf32, #tpu.memory_space<vmem>>) target(%dma_start3A_228 : memref<10240xf32, #tpu.memory_space<vmem_shared>>) offsets(%dma_start3A_226 : memref<80xi32, #tpu.memory_space<vmem>>) semaphore(%run_scoped3A_223 : memref<!tpu.dma_semaphore, #tpu.memory_space<semaphore_mem>>) {add = true}
            %dma_wait3A_229 = arith.constant 0 : i32
            %dma_wait3A_230 = tpu.memref_slice %arg10[%rem3A_136, %sub3A_222, %dma_wait3A_229] : memref<2x25x80xi32, #tpu.memory_space<vmem>> -> memref<1x1x80xi32, #tpu.memory_space<vmem>>
            %dma_wait3A_231 = tpu.memref_squeeze %dma_wait3A_230 : memref<1x1x80xi32, #tpu.memory_space<vmem>> -> memref<80xi32, #tpu.memory_space<vmem>>
            %dma_wait3A_232 = arith.constant 0 : i32
            %dma_wait3A_233 = tpu.memref_slice %arg8[%dma_wait3A_232] : memref<10240xf32, #tpu.memory_space<vmem_shared>> -> memref<10240xf32, #tpu.memory_space<vmem_shared>>
            tpu.wait_indirect_dma semaphore(%run_scoped3A_223 : memref<!tpu.dma_semaphore, #tpu.memory_space<semaphore_mem>>) src(%arg12 : memref<80xf32, #tpu.memory_space<vmem>>) dst(%dma_wait3A_233 : memref<10240xf32, #tpu.memory_space<vmem_shared>>)
            tpu.yield
          }) : () -> ()
        } else {
        }
        %scan3A_205 = arith.constant 0 : i32
        scf.yield %scan3A_205 : i32
      }
      %scan3A_186 = arith.constant 26 : i32
      %scan3A_187 = arith.constant 0 : i32
      scf.yield %scan3A_187 : i32
    }
    %scan3A_124 = arith.constant 5 : i32
    %barrier3A_125 = arith.constant 0 : index
    tpu.barrier barrier_id(%barrier3A_125)
    %mul3A_126 = arith.constant 640 : i32
    %mul3A_127 = arith.muli %arg1, %mul3A_126 : i32
    %mul3A_128 = arith.constant 640 : i32
    %mul3A_129 = arith.muli %arg1, %mul3A_128 : i32
    "tpu.region"() ({
      %run_scoped3A_134 = tpu.sem_alloc : memref<!tpu.dma_semaphore, #tpu.memory_space<semaphore_mem>>
      %dma_start3A_135 = arith.constant 0 : i32
      %dma_start3A_136 = tpu.memref_slice %arg5[%arg0, %mul3A_129, %dma_start3A_135] : memref<2x10240x128xf32, #tpu.memory_space<hbm>> -> memref<1x640x128xf32, #tpu.memory_space<hbm>>
      %dma_start3A_137 = tpu.memref_squeeze %dma_start3A_136 : memref<1x640x128xf32, #tpu.memory_space<hbm>> -> memref<640x128xf32, #tpu.memory_space<hbm>>
      %dma_start3A_138 = arith.constant 0 : i32
      %dma_start3A_139 = tpu.memref_slice %arg7[%mul3A_127, %dma_start3A_138] : memref<10240x128xf32, #tpu.memory_space<vmem_shared>> -> memref<640x128xf32, #tpu.memory_space<vmem_shared>>
      tpu.enqueue_dma source(%dma_start3A_139 : memref<640x128xf32, #tpu.memory_space<vmem_shared>>) target(%dma_start3A_137 : memref<640x128xf32, #tpu.memory_space<hbm>>) target_semaphore(%run_scoped3A_134 : memref<!tpu.dma_semaphore, #tpu.memory_space<semaphore_mem>>)
      %dma_wait3A = arith.constant 0 : i32
      %dma_wait3A_140 = tpu.memref_slice %arg5[%arg0, %mul3A_129, %dma_wait3A] : memref<2x10240x128xf32, #tpu.memory_space<hbm>> -> memref<1x640x128xf32, #tpu.memory_space<hbm>>
      %dma_wait3A_141 = tpu.memref_squeeze %dma_wait3A_140 : memref<1x640x128xf32, #tpu.memory_space<hbm>> -> memref<640x128xf32, #tpu.memory_space<hbm>>
      %dma_wait3A_142 = arith.constant 0 : i32
      %dma_wait3A_143 = tpu.memref_slice %arg7[%mul3A_127, %dma_wait3A_142] : memref<10240x128xf32, #tpu.memory_space<vmem_shared>> -> memref<640x128xf32, #tpu.memory_space<vmem_shared>>
      tpu.wait_dma2 semaphore(%run_scoped3A_134 : memref<!tpu.dma_semaphore, #tpu.memory_space<semaphore_mem>>) src(%dma_wait3A_143 : memref<640x128xf32, #tpu.memory_space<vmem_shared>>) dst(%dma_wait3A_141 : memref<640x128xf32, #tpu.memory_space<hbm>>)
      tpu.yield
    }) : () -> ()
    %mul3A_130 = arith.constant 640 : i32
    %mul3A_131 = arith.muli %arg1, %mul3A_130 : i32
    %mul3A_132 = arith.constant 640 : i32
    %mul3A_133 = arith.muli %arg1, %mul3A_132 : i32
    "tpu.region"() ({
      %run_scoped3A_134 = tpu.sem_alloc : memref<!tpu.dma_semaphore, #tpu.memory_space<semaphore_mem>>
      %dma_start3A_135 = tpu.memref_slice %arg6[%arg0, %mul3A_133] : memref<2x10240xf32, #tpu.memory_space<hbm>> -> memref<1x640xf32, #tpu.memory_space<hbm>>
      %dma_start3A_136 = tpu.memref_squeeze %dma_start3A_135 : memref<1x640xf32, #tpu.memory_space<hbm>> -> memref<640xf32, #tpu.memory_space<hbm>>
      %dma_start3A_137 = tpu.memref_slice %arg8[%mul3A_131] : memref<10240xf32, #tpu.memory_space<vmem_shared>> -> memref<640xf32, #tpu.memory_space<vmem_shared>>
      tpu.enqueue_dma source(%dma_start3A_137 : memref<640xf32, #tpu.memory_space<vmem_shared>>) target(%dma_start3A_136 : memref<640xf32, #tpu.memory_space<hbm>>) target_semaphore(%run_scoped3A_134 : memref<!tpu.dma_semaphore, #tpu.memory_space<semaphore_mem>>)
      %dma_wait3A = tpu.memref_slice %arg6[%arg0, %mul3A_133] : memref<2x10240xf32, #tpu.memory_space<hbm>> -> memref<1x640xf32, #tpu.memory_space<hbm>>
      %dma_wait3A_138 = tpu.memref_squeeze %dma_wait3A : memref<1x640xf32, #tpu.memory_space<hbm>> -> memref<640xf32, #tpu.memory_space<hbm>>
      %dma_wait3A_139 = tpu.memref_slice %arg8[%mul3A_131] : memref<10240xf32, #tpu.memory_space<vmem_shared>> -> memref<640xf32, #tpu.memory_space<vmem_shared>>
      tpu.wait_dma2 semaphore(%run_scoped3A_134 : memref<!tpu.dma_semaphore, #tpu.memory_space<semaphore_mem>>) src(%dma_wait3A_139 : memref<640xf32, #tpu.memory_space<vmem_shared>>) dst(%dma_wait3A_138 : memref<640xf32, #tpu.memory_space<hbm>>)
      tpu.yield
    }) : () -> ()
    return
  }
}

module attributes {stable_mosaic.version = 14 : i64} {
  func.func @_epilogue_body(%arg0: i32, %arg1: memref<2000x128xf32, #tpu.memory_space<vmem>>, %arg2: memref<1x2000x128xf32, #tpu.memory_space<vmem>>, %arg3: memref<1x2000x128xf32, #tpu.memory_space<vmem>>, %arg4: memref<1x2000x1xf32, #tpu.memory_space<vmem>>, %arg5: memref<1x2000x1xf32, #tpu.memory_space<vmem>>, %arg6: memref<128x128xf32, #tpu.memory_space<vmem>>, %arg7: memref<1x128xf32, #tpu.memory_space<vmem>>, %arg8: memref<2000x128xf32, #tpu.memory_space<vmem>>) attributes {dimension_semantics = [#tpu.dimension_semantics<arbitrary>], iteration_bounds = array<i64: 5>, scalar_prefetch = 0 : i64, scratch_operands = 0 : i64, tpu.core_type = #tpu.core_type<tc>, window_params = [{transform_indices = @transform_0, window_bounds = array<i64: 2000, 128>}, {transform_indices = @transform_1, window_bounds = array<i64: 1, 2000, 128>}, {transform_indices = @transform_2, window_bounds = array<i64: 1, 2000, 128>}, {transform_indices = @transform_3, window_bounds = array<i64: 1, 2000, 1>}, {transform_indices = @transform_4, window_bounds = array<i64: 1, 2000, 1>}, {pipeline_mode = #tpu.pipeline_mode<synchronous>, transform_indices = @transform_5, window_bounds = array<i64: 128, 128>}, {pipeline_mode = #tpu.pipeline_mode<synchronous>, transform_indices = @transform_6, window_bounds = array<i64: 1, 128>}, {transform_indices = @transform_7, window_bounds = array<i64: 2000, 128>}]} {
    %get3A = arith.constant 0 : index
    %get3A_0 = arith.constant 0 : index
    %get3A_1 = arith.constant 0 : index
    %get3A_2 = vector.load %arg4[%get3A, %get3A_0, %get3A_1] : memref<1x2000x1xf32, #tpu.memory_space<vmem>>, vector<1x2000x1xf32>
    %get3A_3 = vector.shape_cast %get3A_2 : vector<1x2000x1xf32> to vector<2000x1xf32>
    %get3A_4 = arith.constant 0 : index
    %get3A_5 = arith.constant 0 : index
    %get3A_6 = arith.constant 0 : index
    %get3A_7 = vector.load %arg5[%get3A_4, %get3A_5, %get3A_6] : memref<1x2000x1xf32, #tpu.memory_space<vmem>>, vector<1x2000x1xf32>
    %get3A_8 = vector.shape_cast %get3A_7 : vector<1x2000x1xf32> to vector<2000x1xf32>
    %add3A = arith.addf %get3A_3, %get3A_8 : vector<2000x1xf32>
    %eq3A = arith.constant 0.000000e+00 : f32
    %eq3A_9 = vector.broadcast %eq3A : f32 to vector<2000x1xf32>
    %eq3A_10 = arith.cmpf oeq, %add3A, %eq3A_9 : vector<2000x1xf32>
    %div3A = arith.constant 1.000000e+00 : f32
    %div3A_11 = vector.broadcast %div3A : f32 to vector<2000x1xf32>
    %div3A_12 = arith.divf %div3A_11, %add3A : vector<2000x1xf32>
    %jit3A = arith.constant 0.000000e+00 : f32
    %broadcast_in_dim3A = vector.broadcast %jit3A : f32 to vector<2000x1xf32>
    %select_n3A = arith.select %eq3A_10, %broadcast_in_dim3A, %div3A_12 : vector<2000x1xi1>, vector<2000x1xf32>
    %get3A_13 = arith.constant 0 : index
    %get3A_14 = arith.constant 0 : index
    %get3A_15 = vector.load %arg1[%get3A_13, %get3A_14] : memref<2000x128xf32, #tpu.memory_space<vmem>>, vector<2000x128xf32>
    %get3A_16 = arith.constant 0 : index
    %get3A_17 = arith.constant 0 : index
    %get3A_18 = arith.constant 0 : index
    %get3A_19 = vector.load %arg2[%get3A_16, %get3A_17, %get3A_18] : memref<1x2000x128xf32, #tpu.memory_space<vmem>>, vector<1x2000x128xf32>
    %get3A_20 = vector.shape_cast %get3A_19 : vector<1x2000x128xf32> to vector<2000x128xf32>
    %get3A_21 = arith.constant 0 : index
    %get3A_22 = arith.constant 0 : index
    %get3A_23 = arith.constant 0 : index
    %get3A_24 = vector.load %arg3[%get3A_21, %get3A_22, %get3A_23] : memref<1x2000x128xf32, #tpu.memory_space<vmem>>, vector<1x2000x128xf32>
    %get3A_25 = vector.shape_cast %get3A_24 : vector<1x2000x128xf32> to vector<2000x128xf32>
    %add3A_26 = arith.addf %get3A_20, %get3A_25 : vector<2000x128xf32>
    %mul3A = vector.broadcast %select_n3A : vector<2000x1xf32> to vector<2000x128xf32>
    %mul3A_27 = arith.mulf %add3A_26, %mul3A : vector<2000x128xf32>
    %sub3A = arith.subf %get3A_15, %mul3A_27 : vector<2000x128xf32>
    %get3A_28 = arith.constant 0 : index
    %get3A_29 = arith.constant 0 : index
    %get3A_30 = vector.load %arg6[%get3A_28, %get3A_29] : memref<128x128xf32, #tpu.memory_space<vmem>>, vector<128x128xf32>
    %dot_general3A = arith.constant dense<0.000000e+00> : vector<2000x128xf32>
    %dot_general3A_31 = tpu.matmul %sub3A, %get3A_30, %dot_general3A {dimension_numbers = #tpu.dot_dimension_numbers<[1], [1], [0], [0], [0, 0, 1, 0], [], []>, transpose_lhs_hint = false} : vector<2000x128xf32>, vector<128x128xf32>, vector<2000x128xf32> -> vector<2000x128xf32>
    %get3A_32 = arith.constant 0 : index
    %get3A_33 = arith.constant 0 : index
    %get3A_34 = vector.load %arg7[%get3A_32, %get3A_33] : memref<1x128xf32, #tpu.memory_space<vmem>>, vector<1x128xf32>
    %add3A_35 = vector.broadcast %get3A_34 : vector<1x128xf32> to vector<2000x128xf32>
    %add3A_36 = arith.addf %dot_general3A_31, %add3A_35 : vector<2000x128xf32>
    %max3A = arith.constant 0.000000e+00 : f32
    %max3A_37 = vector.broadcast %max3A : f32 to vector<2000x128xf32>
    %max3A_38 = arith.maximumf %add3A_36, %max3A_37 : vector<2000x128xf32>
    %swap3A = arith.constant 0 : index
    %swap3A_39 = arith.constant 0 : index
    %swap3A_40 = vector.load %arg8[%swap3A, %swap3A_39] : memref<2000x128xf32, #tpu.memory_space<vmem>>, vector<2000x128xf32>
    tpu.vector_store %arg8[%swap3A, %swap3A_39], %max3A_38 {strides = array<i32>} : memref<2000x128xf32, #tpu.memory_space<vmem>>, vector<2000x128xf32>,
    return
  }
  func.func @transform_0(%arg0: i32) -> (i32, i32) {
    %c0_i32 = arith.constant 0 : i32
    %c0_i32_0 = arith.constant 0 : i32
    return %arg0, %c0_i32 : i32, i32
  }
  func.func @transform_1(%arg0: i32) -> (i32, i32, i32) {
    %c0_i32 = arith.constant 0 : i32
    %c0_i32_0 = arith.constant 0 : i32
    %c0_i32_1 = arith.constant 0 : i32
    return %c0_i32, %arg0, %c0_i32_0 : i32, i32, i32
  }
  func.func @transform_2(%arg0: i32) -> (i32, i32, i32) {
    %c1_i32 = arith.constant 1 : i32
    %c0_i32 = arith.constant 0 : i32
    %c0_i32_0 = arith.constant 0 : i32
    return %c1_i32, %arg0, %c0_i32 : i32, i32, i32
  }
  func.func @transform_3(%arg0: i32) -> (i32, i32, i32) {
    %c0_i32 = arith.constant 0 : i32
    %c0_i32_0 = arith.constant 0 : i32
    %c0_i32_1 = arith.constant 0 : i32
    return %c0_i32, %arg0, %c0_i32_0 : i32, i32, i32
  }
  func.func @transform_4(%arg0: i32) -> (i32, i32, i32) {
    %c1_i32 = arith.constant 1 : i32
    %c0_i32 = arith.constant 0 : i32
    %c0_i32_0 = arith.constant 0 : i32
    return %c1_i32, %arg0, %c0_i32 : i32, i32, i32
  }
  func.func @transform_5(%arg0: i32) -> (i32, i32) {
    %c0_i32 = arith.constant 0 : i32
    %c0_i32_0 = arith.constant 0 : i32
    %c0_i32_1 = arith.constant 0 : i32
    return %c0_i32, %c0_i32_0 : i32, i32
  }
  func.func @transform_6(%arg0: i32) -> (i32, i32) {
    %c0_i32 = arith.constant 0 : i32
    %c0_i32_0 = arith.constant 0 : i32
    %c0_i32_1 = arith.constant 0 : i32
    return %c0_i32, %c0_i32_0 : i32, i32
  }
  func.func @transform_7(%arg0: i32) -> (i32, i32) {
    %c0_i32 = arith.constant 0 : i32
    %c0_i32_0 = arith.constant 0 : i32
    return %arg0, %c0_i32 : i32, i32
  }
}

</mosaic_0001>

<sc_bundles>
// kernel: kernel.4.cloned.1.call-start
scs
__scs_entry_jumppad:
0x0: {  	(pc) =	sbr.rel $0x88, $3  }
0x1: {  	(tag) =	ssettag $0x0;
	lr =	simm.s32 $0x1  }
0x2: {  	[smem:$0x3F9D] =	sst lr;
	_ =	strace $0xD0000000  }
0x3: {  	_ = 	snop  }
0x4: {  	_ = 	snop  }
0x5: {  	_ = 	snop  }
0x6: {  	_ = 	snop  }
0x7: {  	_ = 	snop  }
__scs_overlays_trampoline_lowered:
0x8: {  	[smem:$0x3FAC] =	sst s0  }
0x9: {  	[smem:$0x3FAD] =	sst s1  }
0xa: {  	[smem:$0x3FAE] =	sst s2  }
0xb: {  	[smem:$0x3FAF] =	sst s3  }
0xc: {  	[smem:$0x3FB0] =	sst s4  }
0xd: {  	[smem:$0x3FB1] =	sst s5  }
0xe: {  	[smem:$0x3FB2] =	sst s6  }
0xf: {  	[smem:$0x3FB3] =	sst s7  }
0x10: {  	[smem:$0x3FB4] =	sst s8  }
0x11: {  	[smem:$0x3FB5] =	sst s9;
	s0 =	simm.s32 @!p0 $0x0  }
0x12: {  	s1 =	sld [smem:$0x3F9B];
	s0 =	simm.s32 @p0 $0x1  }
0x13: {  	[smem:$0x3FB6] =	sst s0;
	s0 =	simm.s32 @!p1 $0x0  }
0x14: {  	s2 =	sld [smem:$0x3F9A];
	s0 =	simm.s32 @p1 $0x1  }
0x15: {  	[smem:$0x3FB7] =	sst s0;
	s0 =	simm.s32 @!p2 $0x0  }
0x16: {  	s3 =	sld [smem:$0x3FDB];
	s0 =	simm.s32 @p2 $0x1  }
0x17: {  	s4 =	simm.s32 $0x1BF5;
	[smem:$0x3FB9] =	sst s0  }
0x18: {  	s0 =	sld [smem:$0x3F9C];
	_ =	swait.ge [sflag:s4], $0x0  }
0x19: {  	s7 =	sld [smem:$0x3F9D]  }
0x1a: {  	s8 =	sadd.s32 $0xFFFFE003, lr  }
0x1b: {  	s9 =	sadd.s32 $0xFFFFFEF7, lr;
	s5 =	simm.s32 $0xFFFFFFFF;
	p2 =	slt.u32 s8, $0xFFFFF086  }
0x1c: {  	p1 =	slt.u32 s9, $0xF7A;
	s5 =	simm.s32 @!p2 $0x0  }
0x1d: {  	s5 =	simm.s32 @p1 $0x1;
	p0 =	seq.s32 s7, s2  }
0x1e: {  	s7 =	smul.u32 @!p0 $0xF7A, s2;
	p2 =	seq.s32 @!p0 s5, $0x0  }
0x1f: {  	s9 =	smul.u32 $0xF7A, s1;
	s8 =	simm.s32 @!p0 $0x1BF5;
	p2 =	por !p2, p0  }
0x20: {  	[sflag:s8] =	ssyncset.s32 @!p0 $0xFFFFF086;
	s6 =	sadd.s32 @!p0 s3, s7;
	s7 =	simm.s32 @!p0 $0x108  }
0x21: {  	s3 =	sadd.s32 s3, s9;
	s6 =	sadd.s32 @!p0 $0x88, s6;
	s7 =	simm.s32 @p2 $0x1082  }
0x22: {  	[simem:s7], [sflag:s8] =	dma.local @!p0 [hbm:s6], $0xF7A  }
0x23: {  	s9 =	sor.u32 $0xD0000000, s2;
	s6 =	simm.s32 $0x108;
	_ =	swait.ge @!p0 [sflag:s8], $0x0  }
0x24: {  	s3 =	sadd.s32 $0x88, s3;
	s6 =	simm.s32 @!p1 $0x1082;
	[sflag:s4] =	ssyncset.s32 $0xFFFFF086  }
0x25: {  	[simem:s6], [sflag:s4] =	dma.local [hbm:s3], $0xF7A  }
0x26: {  	[smem:$0x3F9D] =	sst s1;
	(tag) =	ssettag s2;
	_ =	strace s9  }
0x27: {  	s1 =	sld [smem:$0x3FAD]  }
0x28: {  	s2 =	sld [smem:$0x3FAE]  }
0x29: {  	s4 =	sld [smem:$0x3FB0]  }
0x2a: {  	p0 =	seq.s32 s5, $0x0;
	s5 =	sld [smem:$0x3FB1]  }
0x2b: {  	s6 =	sld [smem:$0x3FB2]  }
0x2c: {  	s7 =	sld [smem:$0x3FB3]  }
0x2d: {  	s3 =	simm.s32 $0x108;
	s8 =	sld [smem:$0x3FB4]  }
0x2e: {  	s3 =	simm.s32 @!p0 $0x1082;
	s9 =	sld [smem:$0x3FB5]  }
0x2f: {  	lr =	sadd.s32 s0, s3;
	s0 =	sld [smem:$0x3FAC]  }
0x30: {  	s3 =	sld [smem:$0x3FAF]  }
0x31: {  	[smem:$0x3FB8] =	sst s10  }
0x32: {  	s10 =	sld [smem:$0x3FB6];
	_ =	sdelay $0x3  }
0x33: {  	p0 =	seq.s32 s10, $0x1;
	s10 =	sld [smem:$0x3FB8];
	_ =	sdelay $0x3  }
0x34: {  	[smem:$0x3FB8] =	sst s10  }
0x35: {  	s10 =	sld [smem:$0x3FB7];
	_ =	sdelay $0x3  }
0x36: {  	p1 =	seq.s32 s10, $0x1;
	s10 =	sld [smem:$0x3FB8];
	_ =	sdelay $0x3  }
0x37: {  	[smem:$0x3FB8] =	sst s10  }
0x38: {  	s10 =	sld [smem:$0x3FB9]  }
0x39: {  	_ = 	snop;
	(pc) =	sbr.ind lr, $3  }
0x3a: {  	_ = 	snop  }
0x3b: {  	_ = 	snop  }
0x3c: {  	p2 =	seq.s32 s10, $0x1;
	s10 =	sld [smem:$0x3FB8]  }
0x3d: {  	_ =	shalt  }
0x3e: {  	_ =	shalt  }
0x3f: {  	_ =	shalt  }
0x40: {  	_ =	shalt  }
0x41: {  	_ =	shalt  }
0x42: {  	_ =	shalt  }
0x43: {  	_ =	shalt  }
0x44: {  	_ =	shalt  }
0x45: {  	_ =	shalt  }
0x46: {  	_ =	shalt  }
0x47: {  	_ =	shalt  }
0x48: {  	_ =	shalt  }
0x49: {  	_ =	shalt  }
0x4a: {  	_ =	shalt  }
0x4b: {  	_ =	shalt  }
0x4c: {  	_ =	shalt  }
0x4d: {  	_ =	shalt  }
0x4e: {  	_ =	shalt  }
0x4f: {  	_ =	shalt  }
0x50: {  	_ =	shalt  }
0x51: {  	_ =	shalt  }
0x52: {  	_ =	shalt  }
0x53: {  	_ =	shalt  }
0x54: {  	_ =	shalt  }
0x55: {  	_ =	shalt  }
0x56: {  	_ =	shalt  }
0x57: {  	_ =	shalt  }
0x58: {  	_ =	shalt  }
0x59: {  	_ =	shalt  }
0x5a: {  	_ =	shalt  }
0x5b: {  	_ =	shalt  }
0x5c: {  	_ =	shalt  }
0x5d: {  	_ =	shalt  }
0x5e: {  	_ =	shalt  }
0x5f: {  	_ =	shalt  }
0x60: {  	_ =	shalt  }
0x61: {  	_ =	shalt  }
0x62: {  	_ =	shalt  }
0x63: {  	_ =	shalt  }
0x64: {  	_ =	shalt  }
0x65: {  	_ =	shalt  }
0x66: {  	_ =	shalt  }
0x67: {  	_ =	shalt  }
0x68: {  	_ =	shalt  }
0x69: {  	_ =	shalt  }
0x6a: {  	_ =	shalt  }
0x6b: {  	_ =	shalt  }
0x6c: {  	_ =	shalt  }
0x6d: {  	_ =	shalt  }
0x6e: {  	_ =	shalt  }
0x6f: {  	_ =	shalt  }
0x70: {  	_ =	shalt  }
0x71: {  	_ =	shalt  }
0x72: {  	_ =	shalt  }
0x73: {  	_ =	shalt  }
0x74: {  	_ =	shalt  }
0x75: {  	_ =	shalt  }
0x76: {  	_ =	shalt  }
0x77: {  	_ =	shalt  }
0x78: {  	_ =	shalt  }
0x79: {  	_ =	shalt  }
0x7a: {  	_ =	shalt  }
0x7b: {  	_ =	shalt  }
0x7c: {  	_ =	shalt  }
0x7d: {  	_ =	shalt  }
0x7e: {  	_ =	shalt  }
0x7f: {  	_ =	shalt  }
0x80: {  	_ =	shalt  }
0x81: {  	_ =	shalt  }
0x82: {  	_ =	shalt  }
0x83: {  	_ =	shalt  }
0x84: {  	_ =	shalt  }
0x85: {  	_ =	shalt  }
0x86: {  	_ =	shalt  }
0x87: {  	_ =	shalt  }
.Lfunc_end0:
.L_simem_size_0:
called_computation_lowered:
.L_overlay_start_0:
0x88: {  	s2 =	sld [smem:$0x3FD9]  }
0x89: {  	s3 =	sld [smem:$0x3FFE];
	_ =	sdelay $0x1  }
0x8a: {  	s1 =	srdreg.scid  }
0x8b: {  	s0 =	sand.u32 $0x1, s1  }
0x8c: {  	s17 =	sshll.u32 s0, $0xA;
	s2 =	sadd.s32 s3, s2  }
0x8d: {  	s2 =	sadd.s32 s2, s17  }
0x8e: {  	[smem:$0x3FC4] =	sst s2  }
0x8f: {  	_ = 	snop  }
0x90: {  	s2 =	sld [smem:$0x3FC9]  }
0x91: {  	s18 =	sld [smem:$0x3FD0];
	(tm) =	ssettm $0x1  }
0x92: {  	s4 =	sld [smem:$0x3FFB];
	_ =	sdelay $0x3  }
0x93: {  	_ =	strace s4  }
0x94: {  	s4 =	sld [smem:$0x3FFC];
	_ =	sdelay $0x3  }
0x95: {  	_ =	strace s4  }
0x96: {  	s4 =	sld [smem:$0x3FFD];
	_ =	sdelay $0x3  }
0x97: {  	_ =	strace s4  }
0x98: {  	_ =	strace $0x8FFFFFFF  }
0x99: {  	s19 =	sld [smem:$0x3FDB];
	_ =	sdelay $0x1  }
0x9a: {  	s5 =	simm.s32 $_scs_section_size  }
0x9b: {  	s6 =	simm.s32 $_size__tile_overlayer_lowered;
	s7 =	simm.s32 $_tile_overlayer_lowered  }
0x9c: {  	s22 =	simm.s32 $0x1BFF;
	s21 =	sshll.u32 s7, $0x1;
	s4 =	sadd.s32 s5, s19  }
0x9d: {  	s8 =	simm.s32 $0x0;
	s20 =	sshll.u32 s6, $0x1;
	s6 =	sadd.s32 s21, s4  }
0x9e: {  	[timem:s8], [sflag:s22] =	dma.local [hbm:s6], s20  }
0x9f: {  	_ =	swait.ge [sflag:s22], s20  }
0xa0: {  	s5 =	ssub.s32 $0x0, s20;
	[sflag:s22] =	ssyncset.done $0x0  }
0xa1: {  	[sflag:s22] =	ssyncadd.s32 s5;
	_ =	sdelay $0x1  }
0xa2: {  	s23 =	simm.s32 $0x1B8B  }
0xa3: {  	_ =	swait.ge [sflag:s23], $0x1  }
0xa4: {  	[sflag:s23] =	ssyncset.done $0x0  }
0xa5: {  	s25 =	simm.s32 $0x1B8E;
	s24 =	sld [smem:$0x3FFE];
	[sflag:s23] =	ssyncadd.s32 $0xFFFFFFFF  }
0xa6: {  	s26 =	simm.s32 $execute0_lowered;
	[smem:$0x3FD2] =	sst s25  }
0xa7: {  	s6 =	sshll.u32 s26, $0x1;
	_ =	strace $0x80000046;
	[dreg:$0x1] =	wrdreg $0xFFFFFFFF  }
0xa8: {  	s28 =	simm.s32 $_size_execute0_lowered;
	s4 =	sadd.s32 s4, s6;
	[dreg:$0x0] =	wrdreg $0x0  }
0xa9: {  	s6 =	sshll.u32 s28, $0x1;
	[dreg:$0x2] =	wrdreg s4  }
0xaa: {  	[dreg:$0x3] =	wrdreg s6  }
0xab: {  	[dreg:$0x4] =	wrdreg $0xC0  }
0xac: {  	_ =	task [dreg:s8], $0x5FFFF  }
0xad: {  	[dreg:$0x1] =	wrdreg $0xFFFFFFFF  }
0xae: {  	[dreg:$0x0] =	wrdreg $0x60  }
0xaf: {  	[dreg:$0x2] =	wrdreg s2  }
0xb0: {  	[dreg:$0x3] =	wrdreg s18  }
0xb1: {  	[dreg:$0x4] =	wrdreg s24  }
0xb2: {  	[dreg:$0x5] =	wrdreg $0x0  }
0xb3: {  	[dreg:$0x6] =	wrdreg $0x140000  }
0xb4: {  	[dreg:$0x7] =	wrdreg $0x9  }
0xb5: {  	_ =	task.clear_ibuf [dreg:s8], $0x8FFFF;
	_ =	strace $0x90000046  }
0xb6: {  	s29 =	simm.s32 $0x9;
	_ =	strace $0x80000048  }
0xb7: {  	_ =	swait.ge [sflag:s29], $0x1  }
0xb8: {  	[sflag:s29] =	ssyncadd.s32 $0xFFFFFFFF  }
0xb9: {  	_ =	strace $0x90000048  }
0xba: {  	_ =	sfence  }
0xbb: {  	s30 =	sld [smem:$0x0];
	_ =	sdelay $0x2  }
0xbc: {  	s31 =	sshll.u32 s1, $0xD;
	s1 =	sshrl.u32 s1, $0x2  }
0xbd: {  	s3 =	sand.u32 $0x4000, s31;
	s1 =	sadd.s32 s1, s30  }
0xbe: {  	s0 =	sor.u32 s3, s0;
	s1 =	sshll.u32 s1, $0x11  }
0xbf: {  	s0 =	sor.u32 s1, s0  }
0xc0: {  	s0 =	sadd.s32 $0x8F2B, s0  }
0xc1: {  	[sflag:s0] =	ssyncadd.remote.s32 $0x1  }
0xc2: {  	_ =	sfence.sel $0xFFFF  }
0xc3: {  	[dreg:$0x0] =	wrdreg $0xFFFFFFFF;
	(pc) =	sbr.abs _section_cstart, $3  }
0xc4: {  	[dreg:$0x1] =	wrdreg $0xFFFFFFFF  }
0xc5: {  	_ =	task.clear_ibuf [dreg:s8], $0x2FFFF;
	_ =	strace $0x9FFFFFFF  }
0xc6: {  	(tm) =	ssettm $0x7FFFFFFF  }
0xc7: {  	_ =	shalt  }
tec
execute0_lowered:
.L_overlay_start_1:
0x0: {  	(tag) =	ssettag $0x1  }
0x1: {  	s1 =	rddreg [dreg:$0x0]  }
0x2: {  	s2 =	rddreg [dreg:$0x1]  }
0x3: {  	s0 =	rddreg [dreg:$0x2]  }
0x4: {  	s3 =	rddreg [dreg:$0x3];
	s13 =	stileid.u32  }
0x5: {  	s4 =	rddreg [dreg:$0x4];
	s9 =	smul.u32 $0x14000, s13  }
0x6: {  	s5 =	srdreg.scid;
	s6 =	simm.s32 $0x0;
	s14 =	smul.u32 $0x500, s13  }
0x7: {  	s30 =	simm.s32 $0x50;
	s31 =	simm.s32 $0x6;
	s15 =	smul.u32 $0x50000, s13  }
0x8: {  	s28 =	simm.s32 $0x0;
	s5 =	sand.u32 $0x1, s5;
	s21 =	smul.u32 $0xA00, s13  }
0x9: {  	[smem:$0x7FF] =	sst s6;
	s7 =	sadd.s32 $0xE00, s0;
	s8 =	smul.u32 $0x140000, s5  }
0xa: {  	s10 =	sshll.u32 s5, $0x4;
	s11 =	sshll.u32 s5, $0x7;
	s5 =	ssub.s32 $0x2, s5  }
0xb: {  	_ =	strace $0x80000047;
	s16 =	sshrl.u32 s5, $0x1;
	s19 =	sshrl.u32 s15, $0x2  }
0xc: {  	s8 =	sadd.s32 s9, s8;
	s9 =	sor.u32 s11, s14;
	s11 =	sadd.s32 s19, s3  }
0xd: {  	s10 =	sor.u32 s13, s10;
	s5 =	ssub.s32 s5, s16;
	s22 =	sadd.s32 $0x2800, s11  }
0xe: {  	s8 =	sshrl.u32 s8, $0x3;
	s23 =	sadd.s32 $0x5000, s11;
	[dreg:$0x8] =	wrdreg s22  }
0xf: {  	s9 =	sshrl.u32 s9, $0x3;
	s24 =	sadd.s32 $0x7800, s11;
	[dreg:$0x9] =	wrdreg s23  }
0x10: {  	s25 =	sadd.s32 $0xA000, s11;
	s26 =	sadd.s32 $0xC800, s11;
	[dreg:$0xa] =	wrdreg s24  }
0x11: {  	s29 =	sadd.s32 $0xF000, s11;
	s12 =	sadd.s32 s8, s0;
	[dreg:$0xb] =	wrdreg s25  }
0x12: {  	s8 =	smul.u32 $0x5000, s10;
	s0 =	sadd.s32 s9, s0;
	[dreg:$0xc] =	wrdreg s26  }
0x13: {  	s9 =	sshrl.u32 s21, $0x2;
	[dreg:$0xd] =	wrdreg s29;
	s22 =	smax.u32 s5, $0x1  }
0x14: {  	s25 =	simm.s32 $0x18280;
	s26 =	simm.s32 $0x5;
	s17 =	sshrl.u32 s8, $0x3  }
0x15: {  	s19 =	sadd.s32 s9, s4;
	s21 =	sadd.s32 $0x14E00, s0;
	s18 =	sadd.s32 s2, s17  }
0x16: {  	s0 =	simm.s32 $0x1D280;
	s20 =	sadd.s32 s7, s17;
	[dreg:$0x6] =	wrdreg s18  }
0x17: {  	v0 =	vimm.f32 $1.000000000e+00;
	v1 =	vimm.f32 $0.0e+00;
	[dreg:$0x7] =	wrdreg s20;
	s18 =	sadd.s32 $0x11800, s11;
	s20 =	sadd.s32 $0x15800, s12  }
.LBB2_1:
0x18: {  	s5 =	rddreg [dreg:$0x6];
	s9 =	simm.s32 $0x14280  }
0x19: {  	[tilespmem:s9], [sflag:$0x3] =	stream.linear.gather [hbm4b:s5+s6], $0xC80, $0x38;
	[tilespmem:$0x1D580] =	vst v63  }
0x1a: {  	s17 =	rddreg [dreg:$0x7];
	s23 =	simm.s32 $0x16280  }
0x1b: {  	[tilespmem:s23], [sflag:$0x3] =	stream.linear.gather [hbm4b:s17+s6], $0xC80, $0x38;
	[tilespmem:$0x1D580] =	vst v63  }
0x1c: {  	[tilespmem:$0x1D280] =	vst v0  }
0x1d: {  	[tilespmem:$0x1D290] =	vst v0  }
0x1e: {  	s24 =	sand.u32 $0xFE00, s6;
	[tilespmem:$0x1D2A0] =	vst v0  }
0x1f: {  	s29 =	sand.u32 $0x70, s6;
	s10 =	sshrl.u32 s24, $0x2;
	[tilespmem:$0x1D2B0] =	vst v0  }
0x20: {  	s5 =	simm.s32 $0x40;
	s9 =	simm.s32 $0x0;
	s10 =	sor.u32 s29, s10;
	[tilespmem:$0x1D2C0] =	vst v0  }
.LBB2_2:
0x21: {  	p0 =	sne.s32 s5, $0x9FC0  }
0x22: {  	[tilespmem:s10+$0x18280] =	vst v1;
	s9 =	sadd.s32 $0x10, s9;
	s10 =	smov.u32 s5;
	s5 =	sadd.s32 $0x40, s5  }
.Ltmp0:
0x23: {  	(pc) =	sbr.rel @p0 .LBB2_2-.Ltmp0, $4  }
0x24: {  	_ = 	snop  }
0x25: {  	s10 =	sand.u32 $0xFE00, s10  }
0x26: {  	s12 =	sand.u32 $0x70, s9;
	s10 =	sshrl.u32 s10, $0x2  }
0x27: {  	s10 =	sor.u32 s12, s10  }
0x28: {  	[tilespmem:s10+$0x18280] =	vst v1  }
0x29: {  	[tilespmem:$0x1D300] =	vst v1  }
0x2a: {  	[tilespmem:$0x1D310] =	vst v1  }
0x2b: {  	[tilespmem:$0x1D320] =	vst v1  }
0x2c: {  	[tilespmem:$0x1D330] =	vst v1  }
0x2d: {  	[tilespmem:$0x1D340] =	vst v1  }
0x2e: {  	[tilespmem:$0x1D350] =	vst v1  }
0x2f: {  	[tilespmem:$0x1D360] =	vst v1  }
0x30: {  	[tilespmem:$0x1D370] =	vst v1  }
0x31: {  	[tilespmem:$0x1D380] =	vst v1  }
0x32: {  	[tilespmem:$0x1D390] =	vst v1  }
0x33: {  	[tilespmem:$0x1D3A0] =	vst v1  }
0x34: {  	[tilespmem:$0x1D3B0] =	vst v1  }
0x35: {  	[tilespmem:$0x1D3C0] =	vst v1  }
0x36: {  	[tilespmem:$0x1D3D0] =	vst v1  }
0x37: {  	[tilespmem:$0x1D3E0] =	vst v1  }
0x38: {  	[tilespmem:$0x1D3F0] =	vst v1  }
0x39: {  	[tilespmem:$0x1D400] =	vst v1  }
0x3a: {  	[tilespmem:$0x1D410] =	vst v1  }
0x3b: {  	[tilespmem:$0x1D420] =	vst v1  }
0x3c: {  	[tilespmem:$0x1D430] =	vst v1  }
0x3d: {  	[tilespmem:$0x1D440] =	vst v1  }
0x3e: {  	[tilespmem:$0x1D450] =	vst v1  }
0x3f: {  	[tilespmem:$0x1D460] =	vst v1  }
0x40: {  	[tilespmem:$0x1D470] =	vst v1  }
0x41: {  	[tilespmem:$0x1D480] =	vst v1  }
0x42: {  	[tilespmem:$0x1D490] =	vst v1  }
0x43: {  	[tilespmem:$0x1D4A0] =	vst v1  }
0x44: {  	[tilespmem:$0x1D4B0] =	vst v1  }
0x45: {  	[tilespmem:$0x1D4C0] =	vst v1  }
0x46: {  	[tilespmem:$0x1D4D0] =	vst v1  }
0x47: {  	[tilespmem:$0x1D4E0] =	vst v1  }
0x48: {  	[tilespmem:$0x1D4F0] =	vst v1  }
0x49: {  	[tilespmem:$0x1D500] =	vst v1  }
0x4a: {  	[tilespmem:$0x1D510] =	vst v1  }
0x4b: {  	[tilespmem:$0x1D520] =	vst v1  }
0x4c: {  	[tilespmem:$0x1D530] =	vst v1  }
0x4d: {  	[tilespmem:$0x1D540] =	vst v1  }
0x4e: {  	[tilespmem:$0x1D550] =	vst v1  }
0x4f: {  	[tilespmem:$0x1D560] =	vst v1  }
0x50: {  	[tilespmem:$0x1D570] =	vst v1  }
0x51: {  	[spmem:s11] =	stream.linear.scatter [tilespmem:s25], [sflag:$0x5], $0x2800, $0x38;
	[tilespmem:$0x1D580] =	vst v63  }
0x52: {  	_ =	swait.ge [sflag:s26], $0x2800  }
0x53: {  	[sflag:s26] =	ssyncset.done $0x0  }
0x54: {  	s5 =	rddreg [dreg:$0x8];
	[sflag:s26] =	ssyncadd.s32 $0xFFFFD800  }
0x55: {  	[spmem:s5] =	stream.linear.scatter [tilespmem:s25], [sflag:$0x5], $0x2800, $0x38;
	[tilespmem:$0x1D580] =	vst v63  }
0x56: {  	_ =	swait.ge [sflag:s26], $0x2800  }
0x57: {  	[sflag:s26] =	ssyncset.done $0x0  }
0x58: {  	s14 =	rddreg [dreg:$0x9];
	[sflag:s26] =	ssyncadd.s32 $0xFFFFD800  }
0x59: {  	[spmem:s14] =	stream.linear.scatter [tilespmem:s25], [sflag:$0x5], $0x2800, $0x38;
	[tilespmem:$0x1D580] =	vst v63  }
0x5a: {  	_ =	swait.ge [sflag:s26], $0x2800  }
0x5b: {  	[sflag:s26] =	ssyncset.done $0x0  }
0x5c: {  	s15 =	rddreg [dreg:$0xa];
	[sflag:s26] =	ssyncadd.s32 $0xFFFFD800  }
0x5d: {  	[spmem:s15] =	stream.linear.scatter [tilespmem:s25], [sflag:$0x5], $0x2800, $0x38;
	[tilespmem:$0x1D580] =	vst v63  }
0x5e: {  	_ =	swait.ge [sflag:s26], $0x2800  }
0x5f: {  	[sflag:s26] =	ssyncset.done $0x0  }
0x60: {  	s16 =	rddreg [dreg:$0xb];
	[sflag:s26] =	ssyncadd.s32 $0xFFFFD800  }
0x61: {  	[spmem:s16] =	stream.linear.scatter [tilespmem:s25], [sflag:$0x5], $0x2800, $0x38;
	[tilespmem:$0x1D580] =	vst v63  }
0x62: {  	_ =	swait.ge [sflag:s26], $0x2800  }
0x63: {  	[sflag:s26] =	ssyncset.done $0x0  }
0x64: {  	s17 =	rddreg [dreg:$0xc];
	[sflag:s26] =	ssyncadd.s32 $0xFFFFD800  }
0x65: {  	[spmem:s17] =	stream.linear.scatter [tilespmem:s25], [sflag:$0x5], $0x2800, $0x38;
	[tilespmem:$0x1D580] =	vst v63  }
0x66: {  	_ =	swait.ge [sflag:s26], $0x2800  }
0x67: {  	[sflag:s26] =	ssyncset.done $0x0  }
0x68: {  	s23 =	rddreg [dreg:$0xd];
	[sflag:s26] =	ssyncadd.s32 $0xFFFFD800  }
0x69: {  	[spmem:s23] =	stream.linear.scatter [tilespmem:s25], [sflag:$0x5], $0x2800, $0x38;
	[tilespmem:$0x1D580] =	vst v63  }
0x6a: {  	_ =	swait.ge [sflag:s26], $0x2800  }
0x6b: {  	[sflag:s26] =	ssyncset.done $0x0  }
0x6c: {  	[sflag:s26] =	ssyncadd.s32 $0xFFFFD800  }
0x6d: {  	[spmem:s18] =	stream.linear.scatter [tilespmem:s25], [sflag:$0x5], $0x2800, $0x38;
	[tilespmem:$0x1D580] =	vst v63  }
0x6e: {  	_ =	swait.ge [sflag:s26], $0x2800  }
0x6f: {  	[sflag:s26] =	ssyncset.done $0x0  }
0x70: {  	s24 =	simm.s32 $0x1D300;
	[sflag:s26] =	ssyncadd.s32 $0xFFFFD800  }
0x71: {  	[spmem:s19] =	stream.linear.scatter [tilespmem:s24], [sflag:$0x5], $0x280, $0x38;
	[tilespmem:$0x1D580] =	vst v63  }
0x72: {  	_ =	swait.ge [sflag:s26], $0x280  }
0x73: {  	[sflag:s26] =	ssyncset.done $0x0  }
0x74: {  	[sflag:s26] =	ssyncadd.s32 $0xFFFFFD80  }
0x75: {  	s29 =	simm.s32 $0x0;
	p0 =	por $0x0, $0x0;
	[bflag:$0x0] =	sbarrier.arrive $0xFFFF  }
.LBB2_5:
0x76: {  	s9 =	sand.u32 $0x1, s29  }
0x77: {  	s10 =	sadd.s32 $0x3, s9  }
0x78: {  	_ =	swait.ge [sflag:s10], $0xC80  }
0x79: {  	[sflag:s10] =	ssyncset.done $0x0  }
0x7a: {  	s5 =	smov.u32 s29;
	[sflag:s10] =	ssyncadd.s32 $0xFFFFF380  }
0x7b: {  	s29 =	sadd.s32 $0x1, s29;
	p1 =	seq.s32 s5, $0x4;
	_ =	swait.ge [sflag:s10], $0xC80  }
0x7c: {  	s5 =	sshll.u32 @!p1 s29, $0xC;
	[sflag:s10] =	ssyncset.done $0x0  }
0x7d: {  	s5 =	sadd.s32 @!p1 s8, s5;
	[sflag:s10] =	ssyncadd.s32 $0xFFFFF380;
	s10 =	sand.u32 @!p1 $0x1, s29  }
0x7e: {  	s5 =	sshrl.u32 @!p1 s5, $0x3;
	s12 =	sadd.s32 @!p1 $0x3, s10;
	s10 =	sshll.u32 @!p1 s10, $0xC  }
0x7f: {  	s24 =	simm.s32 @!p1 $0x0;
	s23 =	sadd.s32 @!p1 s2, s5;
	s13 =	sor.u32 @!p1 $0x14280, s10  }
0x80: {  	[tilespmem:s13], [sflag:s12] =	stream.linear.gather @!p1 [hbm4b:s23+s24], $0xC80, $0x38;
	[tilespmem:$0x1D580] =	vst v63  }
0x81: {  	s15 =	simm.s32 $0x1;
	s5 =	sadd.s32 @!p1 s7, s5;
	s10 =	sor.u32 @!p1 $0x16280, s10  }
0x82: {  	[tilespmem:s10], [sflag:s12] =	stream.linear.gather @!p1 [hbm4b:s5+s24], $0xC80, $0x38;
	[tilespmem:$0x1D580] =	vst v63  }
0x83: {  	s23 =	sshll.u32 s9, $0xC;
	s10 =	simm.s32 $0x1;
	s5 =	sand.u32 $0x1, s15  }
0x84: {  	s9 =	sor.u32 $0x14280, s23;
	s10 =	simm.s32 @!p0 $0x0;
	s16 =	smul.u32 $0xA000, s5  }
0x85: {  	[tilespmem:s25], [sflag:$0x1] =	stream.indirect.gather [hbm4b:s1+s30], $0x80, s9, s30, $0xb8;
	[tilespmem:$0x1D580] =	vst v63  }
0x86: {  	s24 =	simm.s32 $0x2;
	s5 =	sadd.s32 $0x1, s5;
	s17 =	sshll.u32 s10, $0xC  }
0x87: {  	s10 =	sand.u32 $0x1, s24;
	s12 =	sshrl.u32 s16, $0x2;
	s13 =	sor.u32 $0x14300, s17  }
0x88: {  	s14 =	smul.u32 $0xA000, s10;
	s10 =	sadd.s32 $0x1, s10;
	s12 =	sor.u32 $0x18280, s12  }
0x89: {  	[tilespmem:s12], [sflag:s5] =	stream.indirect.gather [hbm4b:s1+s30], $0x80, s13, s30, $0xb8;
	[tilespmem:$0x1D580] =	vst v63  }
0x8a: {  	_ =	swait.ge [sflag:s10], $0x2800  }
0x8b: {  	s9 =	simm.s32 $0x3;
	s15 =	sshrl.u32 s14, $0x2;
	[sflag:s10] =	ssyncset.done $0x0  }
0x8c: {  	s16 =	sor.u32 $0x16280, s17;
	s5 =	sor.u32 $0x18280, s15;
	[sflag:s10] =	ssyncadd.s32 $0xFFFFD800  }
0x8d: {  	[spmem:s3] =	stream.indirect.scatter.add.f32 [tilespmem:s5], [sflag:$0x6], $0x80, s16, s30, $0xb8;
	[tilespmem:$0x1D580] =	vst v63  }
0x8e: {  	s17 =	simm.s32 $0x2;
	s24 =	sadd.s32 $0x80, s16;
	_ =	swait.ge [sflag:s31], $0x2800  }
0x8f: {  	s12 =	simm.s32 $0x4;
	s10 =	sand.u32 $0x1, s17;
	[sflag:s31] =	ssyncset.done $0x0  }
0x90: {  	s5 =	sadd.s32 $0x80, s13;
	s13 =	smul.u32 $0xA000, s10;
	[sflag:s31] =	ssyncadd.s32 $0xFFFFD800  }
0x91: {  	[spmem:s4] =	stream.indirect.scatter.add.f32 [tilespmem:s0], [sflag:$0x5], $0x1, s16, s30, $0xb8;
	[tilespmem:$0x1D580] =	vst v63  }
.LBB2_6:
0x92: {  	s13 =	sshrl.u32 s13, $0x2;
	_ =	swait.ge [sflag:s26], $0x50  }
0x93: {  	s14 =	smov.u32 s12;
	s15 =	sadd.s32 $0x1, s12;
	s16 =	smov.u32 s24  }
0x94: {  	p1 =	seq.s32 s12, $0x19;
	s12 =	sor.u32 $0x18280, s13;
	[sflag:s26] =	ssyncset.done $0x0  }
0x95: {  	s9 =	sand.u32 $0x1, s9;
	s10 =	sadd.s32 $0x1, s10;
	[sflag:s26] =	ssyncadd.s32 $0xFFFFFFB0  }
0x96: {  	s13 =	smul.u32 $0xA000, s9;
	s17 =	sadd.s32 $0x1, s9;
	s9 =	smov.u32 s14  }
0x97: {  	[tilespmem:s12], [sflag:s10] =	stream.indirect.gather [hbm4b:s1+s30], $0x80, s5, s30, $0xb8;
	[tilespmem:$0x1D580] =	vst v63  }
0x98: {  	s10 =	sshrl.u32 s13, $0x2;
	_ =	swait.ge [sflag:s17], $0x2800  }
0x99: {  	s10 =	sor.u32 $0x18280, s10;
	[sflag:s17] =	ssyncset.done $0x0  }
0x9a: {  	[sflag:s17] =	ssyncadd.s32 $0xFFFFD800  }
0x9b: {  	[spmem:s3] =	stream.indirect.scatter.add.f32 [tilespmem:s10], [sflag:$0x6], $0x80, s24, s30, $0xb8;
	[tilespmem:$0x1D580] =	vst v63  }
.Ltmp1:
0x9c: {  	_ = 	snop;
	(pc) =	sbr.rel @!p1 .LBB2_6-.Ltmp1, $4  }
0x9d: {  	s5 =	sadd.s32 $0x80, s5;
	s10 =	sadd.s32 $0xFFFFFFFF, s9;
	_ =	swait.ge [sflag:s31], $0x2800  }
0x9e: {  	s12 =	smov.u32 s15;
	s10 =	sand.u32 $0x1, s10;
	[sflag:s31] =	ssyncset.done $0x0  }
0x9f: {  	s24 =	sadd.s32 $0x80, s24;
	s13 =	smul.u32 $0xA000, s10;
	[sflag:s31] =	ssyncadd.s32 $0xFFFFD800  }
0xa0: {  	[spmem:s4] =	stream.indirect.scatter.add.f32 [tilespmem:s0], [sflag:$0x5], $0x1, s16, s30, $0xb8;
	[tilespmem:$0x1D580] =	vst v63  }
0xa1: {  	s12 =	sshrl.u32 s13, $0x2;
	_ =	swait.ge [sflag:s26], $0x50;
	s15 =	sand.u32 $0x1, s9  }
0xa2: {  	s9 =	sadd.s32 $0x1, s10;
	s12 =	sor.u32 $0x18280, s12;
	[sflag:s26] =	ssyncset.done $0x0  }
0xa3: {  	s16 =	smul.u32 $0xA000, s15;
	s13 =	sadd.s32 $0x1, s15;
	[sflag:s26] =	ssyncadd.s32 $0xFFFFFFB0  }
0xa4: {  	[tilespmem:s12], [sflag:s9] =	stream.indirect.gather [hbm4b:s1+s30], $0x80, s5, s30, $0xb8;
	[tilespmem:$0x1D580] =	vst v63  }
0xa5: {  	_ =	swait.ge [sflag:s13], $0x2800  }
0xa6: {  	s17 =	sshrl.u32 s16, $0x2;
	[sflag:s13] =	ssyncset.done $0x0  }
0xa7: {  	s5 =	sor.u32 $0x18280, s17;
	[sflag:s13] =	ssyncadd.s32 $0xFFFFD800  }
0xa8: {  	[spmem:s3] =	stream.indirect.scatter.add.f32 [tilespmem:s5], [sflag:$0x6], $0x80, s24, s30, $0xb8;
	[tilespmem:$0x1D580] =	vst v63  }
0xa9: {  	_ =	swait.ge [sflag:s31], $0x2800  }
0xaa: {  	[sflag:s31] =	ssyncset.done $0x0  }
0xab: {  	[sflag:s31] =	ssyncadd.s32 $0xFFFFD800  }
0xac: {  	[spmem:s4] =	stream.indirect.scatter.add.f32 [tilespmem:s0], [sflag:$0x5], $0x1, s24, s30, $0xb8;
	[tilespmem:$0x1D580] =	vst v63  }
0xad: {  	_ =	swait.ge [sflag:s26], $0x50  }
0xae: {  	[sflag:s26] =	ssyncset.done $0x0  }
0xaf: {  	[sflag:s26] =	ssyncadd.s32 $0xFFFFFFB0  }
0xb0: {  	_ =	swait.ge [sflag:s9], $0x2800  }
0xb1: {  	[sflag:s9] =	ssyncset.done $0x0  }
0xb2: {  	s5 =	sadd.s32 $0x16E80, s23;
	[sflag:s9] =	ssyncadd.s32 $0xFFFFD800  }
0xb3: {  	[spmem:s3] =	stream.indirect.scatter.add.f32 [tilespmem:s12], [sflag:$0x6], $0x80, s5, s30, $0xb8;
	[tilespmem:$0x1D580] =	vst v63  }
0xb4: {  	_ =	swait.ge [sflag:s31], $0x2800  }
0xb5: {  	p1 =	seq.s32 s29, $0x5;
	[sflag:s31] =	ssyncset.done $0x0  }
.Ltmp2:
0xb6: {  	[sflag:s31] =	ssyncadd.s32 $0xFFFFD800;
	(pc) =	sbr.rel @!p1 .LBB2_5-.Ltmp2, $4  }
0xb7: {  	[spmem:s4] =	stream.indirect.scatter.add.f32 [tilespmem:s0], [sflag:$0x5], $0x1, s5, s30, $0xb8;
	[tilespmem:$0x1D580] =	vst v63  }
0xb8: {  	_ =	swait.ge [sflag:s26], $0x50  }
0xb9: {  	[sflag:s26] =	ssyncset.done $0x0  }
0xba: {  	p0 =	por !p0, !p0;
	[sflag:s26] =	ssyncadd.s32 $0xFFFFFFB0  }
0xbb: {  	s5 =	stileid.u32  }
0xbc: {  	[bflag:$0x0] =	sbarrier.arrive $0xFFFF;
	s5 =	sshll.u32 s5, $0x6  }
0xbd: {  	s9 =	sshrl.u32 s11, $0x3;
	s29 =	sshrl.u32 s19, $0x3;
	s5 =	sor.u32 $0x1C05, s5  }
0xbe: {  	[hbm:s20], [sflag:s5] =	dma.local [spmem:s9], $0x2800  }
0xbf: {  	s10 =	simm.s32 $0x1;
	s28 =	sadd.s32 $0x1, s28;
	_ =	swait.ge [sflag:s26], $0x2800  }
0xc0: {  	s12 =	simm.s32 $0x20;
	p0 =	sne.s32 s28, s22;
	[sflag:s26] =	ssyncset.done $0x0  }
.Ltmp3:
0xc1: {  	s13 =	simm.s32 $0x10;
	[sflag:s26] =	ssyncadd.s32 $0xFFFFD800;
	(pc) =	sbr.rel @p0 .LBB2_1-.Ltmp3, $4  }
0xc2: {  	[hbm:s21@s12], [sflag:s5] =	dma.strided [spmem:s29@s13], $0x50, s10, $0x10   }
0xc3: {  	_ =	swait.ge [sflag:s26], $0x50  }
0xc4: {  	[sflag:s26] =	ssyncset.done $0x0  }
0xc5: {  	[sflag:s26] =	ssyncadd.s32 $0xFFFFFFB0  }
0xc6: {  	_ =	sfence.sel $0x180000  }
0xc7: {  	[bflag:$0x0] =	sbarrier.arrive $0xFFFF  }
0xc8: {  	_ =	strace $0x90000047  }
0xc9: {  	s0 =	stileid.u32;
	[bflag:$0x2] =	sbarrier.arrive $0xFFFF  }
0xca: {  	p0 =	sne.s32 s0, $0x0;
	s0 =	rddreg [dreg:$0x5]  }
0xcb: {  	s0 =	sadd.s32 @!p0 $0x100000, s0  }
0xcc: {  	[sflag:s0] =	ssyncadd.tile.s32 @!p0 $0x1;
	_ =	shalt  }
.Lfunc_end2:
_tile_overlayer_lowered:
.L_overlay_start_2:
0xcd: {  	(tag) =	ssettag $0x2  }
0xce: {  	s0 =	rddreg [dreg:$0x0];
	s2 =	stileid.u32  }
0xcf: {  	s1 =	rddreg [dreg:$0x1];
	p0 =	sne.s32 s2, $0x0  }
0xd0: {  	s3 =	rddreg [dreg:$0x2];
	[bflag:$0x3] =	sbarrier.arrive $0xFFFF;
	s2 =	simm.s32 @!p0 $0x1C05  }
0xd1: {  	[timem:s3], [sflag:s2] =	dma.local @!p0 [hbm:s0], s1  }
0xd2: {  	s0 =	simm.s32 @!p0 $0x5  }
0xd3: {  	_ =	swait.ge @!p0 [sflag:s0], s1  }
0xd4: {  	s1 =	ssub.s32 @!p0 $0x0, s1;
	[sflag:s0] =	ssyncset.done @!p0 $0x0  }
0xd5: {  	[sflag:s0] =	ssyncadd.s32 @!p0 s1  }
0xd6: {  	[bflag:$0x3] =	sbarrier.arrive $0xFFFF  }
0xd7: {  	_ =	shalt  }

</sc_bundles>
